<compile_context>
chip_gen: v7x
topology: tpu7x:2x2x1
jax: 0.10.2.dev20260603
libtpu: 0.0.44.dev20260713+nightly
codegen_flags: <defaults>
</compile_context>

<pallas_src>
import functools

import jax
import jax.numpy as jnp
from jax import lax
from jax.experimental import pallas as pl
from jax.experimental.pallas import tpu as pltpu
from jax.experimental.pallas import tpu_sc as plsc

N_NODES = 10000
N_EDGES = 320000
DIM = 128
LANES = 16

CHUNK = 128
NC, NS = 2, 16
NW = NC * NS
C0 = 103
C1 = 54
TOTCH = NS * (C0 + C1)
PAD_TOTAL = TOTCH * CHUNK - N_EDGES

N_PAD = N_NODES + 8
NROWCH = -(-N_PAD // CHUNK)
Z_TAIL = N_PAD - (NROWCH - 1) * CHUNK
W_TAIL = N_NODES - (NROWCH - 1) * CHUNK
WCH = -(-NROWCH // NS)
H_PAD = N_NODES + LANES

RB = 400

_MESH = dict(core_axis_name="c", subcore_axis_name="s")


def _zero_rows(buf, ncols):
    zero16 = jnp.zeros((LANES,), jnp.float32)

    def zrow(i, _):
        row = buf.at[i]

        def zcol(j, _):
            row[pl.ds(j * LANES, LANES)] = zero16
            return 0
        lax.fori_loop(0, ncols // LANES, zcol, 0)
        return 0
    lax.fori_loop(0, CHUNK, zrow, 0)


def _init_shared(sh, buf, s, tail):
    def zsh(j, _):
        jj = j * NS + s

        @pl.when(jj < NROWCH - 1)
        def _():
            pltpu.sync_copy(buf, sh.at[pl.ds(jj * CHUNK, CHUNK)])

        @pl.when(jj == NROWCH - 1)
        def _():
            pltpu.sync_copy(buf.at[pl.ds(0, tail)],
                            sh.at[pl.ds(jj * CHUNK, tail)])
        return 0
    lax.fori_loop(0, WCH, zsh, 0)


def _write_shared(sh, out, c, s):
    def wout(j, _):
        jj = j * NS + s

        @pl.when(jj < NROWCH - 1)
        def _():
            pltpu.sync_copy(sh.at[pl.ds(jj * CHUNK, CHUNK)],
                            out.at[c, pl.ds(jj * CHUNK, CHUNK)])

        @pl.when(jj == NROWCH - 1)
        def _():
            pltpu.sync_copy(sh.at[pl.ds(jj * CHUNK, W_TAIL)],
                            out.at[c, pl.ds(jj * CHUNK, W_TAIL)])
        return 0
    lax.fori_loop(0, WCH, wout, 0)


def _sc_agg_body(with_cnt, h_hbm, pair_hbm, *refs):
    if with_cnt:
        agg_out, cnt_out, pairs, rows, agg_sh, hist, gsem, isem, ssem = refs
    else:
        agg_out, pairs, rows, agg_sh, gsem, isem, ssem = refs
        cnt_out = hist = None

    c = lax.axis_index("c")
    s = lax.axis_index("s")

    _zero_rows(rows.at[0], DIM)
    _init_shared(agg_sh, rows.at[0], s, Z_TAIL)

    if with_cnt:
        zero16 = jnp.zeros((LANES,), jnp.float32)

        def zhist(i, _):
            hist[pl.ds(i * LANES, LANES)] = zero16
            return 0
        lax.fori_loop(0, H_PAD // LANES, zhist, 0)

    ones16 = jnp.ones((LANES,), jnp.float32)

    plsc.subcore_barrier()

    base = jnp.where(c == 0, s * C0, NS * C0 + s * C1)
    nmy = jnp.where(c == 0, C0, C1)

    pltpu.sync_copy(pair_hbm.at[base], pairs.at[0])
    pltpu.async_copy(pair_hbm.at[base + 1], pairs.at[1], isem)
    pltpu.async_copy(h_hbm.at[pairs.at[0, 0]], rows.at[0], gsem)

    def step(t, _):
        par = lax.rem(t, 2)
        nxt = lax.rem(t + 1, 2)
        cur3 = lax.rem(t, 3)
        nxt3 = lax.rem(t + 1, 3)
        fut3 = lax.rem(t + 2, 3)

        @pl.when(t < nmy)
        def _():
            @pl.when(t + 1 < nmy)
            def _():
                pltpu.make_async_copy(pair_hbm.at[base + t + 1],
                                      pairs.at[nxt3], isem).wait()

            pltpu.make_async_copy(h_hbm.at[pairs.at[cur3, 0]],
                                  rows.at[par], gsem).wait()

            @pl.when(t > 0)
            def _():
                pltpu.make_async_copy(rows.at[nxt],
                                      agg_sh.at[pairs.at[fut3, 1]],
                                      ssem).wait()

            @pl.when(t + 1 < nmy)
            def _():
                pltpu.async_copy(h_hbm.at[pairs.at[nxt3, 0]], rows.at[nxt],
                                 gsem)

            pltpu.async_copy(rows.at[par], agg_sh.at[pairs.at[cur3, 1]],
                             ssem, add=True)

            @pl.when(t + 2 < nmy)
            def _():
                pltpu.async_copy(pair_hbm.at[base + t + 2], pairs.at[fut3],
                                 isem)

            if with_cnt:
                drow = pairs.at[cur3, 1]
                for k in range(CHUNK // LANES):
                    iv = drow[pl.ds(k * LANES, LANES)]
                    plsc.addupdate_scatter(hist, [iv], ones16)
        return 0
    lax.fori_loop(0, C0, step, 0)

    lpar = lax.rem(nmy - 1, 2)
    lcur3 = lax.rem(nmy - 1, 3)
    pltpu.make_async_copy(rows.at[lpar], agg_sh.at[pairs.at[lcur3, 1]],
                          ssem).wait()

    if with_cnt:
        wid = s * NC + c
        pltpu.sync_copy(hist.at[pl.ds(0, N_NODES)], cnt_out.at[wid, 0])

    plsc.subcore_barrier()
    _write_shared(agg_sh, agg_out, c, s)


def _make_sc_agg(with_cnt):
    if with_cnt:
        out_type = (jax.ShapeDtypeStruct((NC, N_NODES, DIM), jnp.float32),
                    jax.ShapeDtypeStruct((NW, 1, N_NODES), jnp.float32))
    else:
        out_type = jax.ShapeDtypeStruct((NC, N_NODES, DIM), jnp.float32)
    scratch = [
        pltpu.VMEM((3, 2, CHUNK), jnp.int32),
        pltpu.VMEM((2, CHUNK, DIM), jnp.float32),
        pltpu.VMEM_SHARED((N_PAD, DIM), jnp.float32),
    ]
    if with_cnt:
        scratch.append(pltpu.VMEM((H_PAD,), jnp.float32))
    scratch += [
        pltpu.SemaphoreType.DMA,
        pltpu.SemaphoreType.DMA,
        pltpu.SemaphoreType.DMA,
    ]
    params = (pltpu.CompilerParams(needs_layout_passes=False)
              if with_cnt else None)
    return pl.kernel(
        functools.partial(_sc_agg_body, with_cnt),
        out_type=out_type,
        mesh=plsc.VectorSubcoreMesh(**_MESH),
        compiler_params=params,
        scratch_types=scratch)


def _tc_layer_body(relu, p_ref, c_ref, x_ref, wl_ref, bl_ref, wr_ref, o_ref):
    deg = jnp.maximum(jnp.sum(c_ref[...], axis=1), 1.0)
    mean = (p_ref[0] + p_ref[1]) / deg[:, None]
    acc = jnp.dot(mean, wl_ref[...], preferred_element_type=jnp.float32)
    acc = acc + bl_ref[...]
    acc = acc + jnp.dot(x_ref[...], wr_ref[...],
                        preferred_element_type=jnp.float32)
    o_ref[...] = jnp.maximum(acc, 0.0) if relu else acc


def _tc_layer(p, cnt, x, Wl, bl, Wr, relu):
    return pl.pallas_call(
        functools.partial(_tc_layer_body, relu),
        grid=(N_NODES // RB,),
        in_specs=[
            pl.BlockSpec((NC, RB, DIM), lambda i: (0, i, 0)),
            pl.BlockSpec((RB, NW), lambda i: (i, 0)),
            pl.BlockSpec((RB, DIM), lambda i: (i, 0)),
            pl.BlockSpec((DIM, DIM), lambda i: (0, 0)),
            pl.BlockSpec((1, DIM), lambda i: (0, 0)),
            pl.BlockSpec((DIM, DIM), lambda i: (0, 0)),
        ],
        out_specs=pl.BlockSpec((RB, DIM), lambda i: (i, 0)),
        out_shape=jax.ShapeDtypeStruct((N_NODES, DIM), jnp.float32),
    )(p, cnt, x, Wl, bl.reshape(1, DIM), Wr)


def kernel(x, edge_index, edge_weight, Wl1, bl1, Wr1, Wl2, bl2, Wr2):
    del edge_weight
    src = jnp.concatenate(
        [edge_index[0], jnp.zeros((PAD_TOTAL,), jnp.int32)]
    ).reshape(TOTCH, 1, CHUNK)
    dst = jnp.concatenate(
        [edge_index[1], jnp.full((PAD_TOTAL,), N_NODES, jnp.int32)]
    ).reshape(TOTCH, 1, CHUNK)
    pair = jnp.concatenate([src, dst], axis=1)
    agg1, cnt3 = _make_sc_agg(True)(x, pair)
    cnt = cnt3.reshape(NW, N_NODES).T
    h = _tc_layer(agg1, cnt, x, Wl1, bl1, Wr1, relu=True)
    agg2 = _make_sc_agg(False)(h, pair)
    out = _tc_layer(agg2, cnt, h, Wl2, bl2, Wr2, relu=False)
    return out

# --- scband reference (transcript-rebuilt; emitter-appended) ---
"""Pipeline reference for scband-graph-sageencoder-13142599925969 (READ-ONLY COPY).

The authoritative reference and input builder live on the scoring server;
editing this copy changes nothing except your own understanding.
"""

import jax, jax.numpy as jnp
import numpy as np

N, E, D = 10000, 320000, 128

def setup_inputs(seed: int = 0):
    key = jax.random.key(seed)
    ks = jax.random.split(key, 12)
    x = jax.random.normal(ks[0], (N, D), dtype=jnp.float32)
    edge_index = jax.random.randint(ks[1], (2, E), 0, N, dtype=jnp.int32)
    edge_weight = jax.random.uniform(ks[2], (E,), dtype=jnp.float32)
    s = 1.0 / np.sqrt(D)
    Wl1 = jax.random.uniform(ks[3], (D, D), dtype=jnp.float32, minval=-s, maxval=s)
    bl1 = jnp.zeros((D,), dtype=jnp.float32)
    Wr1 = jax.random.uniform(ks[4], (D, D), dtype=jnp.float32, minval=-s, maxval=s)
    Wl2 = jax.random.uniform(ks[5], (D, D), dtype=jnp.float32, minval=-s, maxval=s)
    bl2 = jnp.zeros((D,), dtype=jnp.float32)
    Wr2 = jax.random.uniform(ks[6], (D, D), dtype=jnp.float32, minval=-s, maxval=s)
    return {"x": x, "edge_index": edge_index, "edge_weight": edge_weight,
            "Wl1": Wl1, "bl1": bl1, "Wr1": Wr1,
            "Wl2": Wl2, "bl2": bl2, "Wr2": Wr2}

def _sage_layer(x, edge_index, Wl, bl, Wr):
    # PyG SAGEConv (aggr='mean'): out = lin_l(mean_{j in N(i)} x_j) + lin_r(x_i)
    src = edge_index[0]
    dst = edge_index[1]
    msgs = jnp.take(x, src, axis=0)                      # gather  [E, d]
    agg = jax.ops.segment_sum(msgs, dst, num_segments=x.shape[0])  # scatter-add
    cnt = jax.ops.segment_sum(jnp.ones((msgs.shape[0], 1), dtype=x.dtype), dst,
                              num_segments=x.shape[0])
    mean = agg / jnp.maximum(cnt, 1.0)
    return mean @ Wl + bl + x @ Wr

def reference(x, edge_index, edge_weight, Wl1, bl1, Wr1, Wl2, bl2, Wr2):
    # edge_weight is IGNORED, matching the torch module's documented behavior.
    h = _sage_layer(x, edge_index, Wl1, bl1, Wr1)
    h = jax.nn.relu(h)
    out = _sage_layer(h, edge_index, Wl2, bl2, Wr2)
    return out

if __name__ == "__main__":
    import jax
    _d = setup_inputs()
    print(jax.jit(kernel)(*tuple(_d.values())))

</pallas_src>

<mosaic_0001>
#map = affine_map<(d0, d1) -> (0, 0)>
#map1 = affine_map<(d0, d1) -> (0, 0, 0)>
module attributes {stable_mosaic.version = 14 : i64} {
  func.func @_sc_agg_body(%arg0: i32, %arg1: i32, %arg2: memref<10000x128xf32, #tpu.memory_space<hbm>>, %arg3: memref<2512x2x128xi32, #tpu.memory_space<hbm>>, %arg4: memref<2x10000x128xf32, #tpu.memory_space<hbm>>, %arg5: memref<3x2x128xi32, #tpu.memory_space<vmem>>, %arg6: memref<2x128x128xf32, #tpu.memory_space<vmem>>, %arg7: memref<10008x128xf32, #tpu.memory_space<vmem_shared>>, %arg8: memref<!tpu.dma_semaphore, #tpu.memory_space<semaphore_mem>>, %arg9: memref<!tpu.dma_semaphore, #tpu.memory_space<semaphore_mem>>, %arg10: memref<!tpu.dma_semaphore, #tpu.memory_space<semaphore_mem>>) attributes {dimension_semantics = [#tpu.dimension_semantics<core_parallel>, #tpu.dimension_semantics<subcore_parallel>], iteration_bounds = array<i64: 2, 16>, scalar_prefetch = 0 : i64, scratch_operands = 6 : i64, tpu.core_type = #tpu.core_type<sc_vector_subcore>, window_params = [{transform_indices = #map}, {transform_indices = #map1}, {transform_indices = #map1}]} {
    %broadcast_in_dim3A = arith.constant 0.000000e+00 : f32
    %broadcast_in_dim3A_0 = vector.broadcast %broadcast_in_dim3A : f32 to vector<16xf32>
    %scan3A = arith.constant 0 : i32
    %scan3A_1 = arith.constant 0 : i32
    %scan3A_2 = arith.constant 0 : i32
    %scan3A_3 = arith.constant 128 : i32
    %scan3A_4 = arith.addi %scan3A_2, %scan3A_3 : i32
    %scan3A_5 = arith.constant 1 : i32
    %scan3A_6 = scf.for %scan3A_89 = %scan3A_2 to %scan3A_4 step %scan3A_5 iter_args(%scan3A_90 = %scan3A_1) -> (i32)  : i32 {
      %scan3A_91 = arith.constant 0 : i32
      %scan3A_92 = arith.constant 0 : i32
      %scan3A_93 = arith.constant 8 : i32
      %scan3A_94 = arith.addi %scan3A_92, %scan3A_93 : i32
      %scan3A_95 = arith.constant 1 : i32
      %scan3A_96 = scf.for %scan3A_99 = %scan3A_92 to %scan3A_94 step %scan3A_95 iter_args(%scan3A_100 = %scan3A_91) -> (i32)  : i32 {
        %mul3A_101 = arith.constant 16 : i32
        %mul3A_102 = arith.muli %scan3A_99, %mul3A_101 : i32
        %swap3A = arith.constant 0 : i32
        %swap3A_103 = arith.constant 0 : i32
        %swap3A_104 = tpu.memref_slice %arg6[%scan3A, %swap3A, %swap3A_103] : memref<2x128x128xf32, #tpu.memory_space<vmem>> -> memref<1x128x128xf32, #tpu.memory_space<vmem>>
        %swap3A_105 = tpu.memref_squeeze %swap3A_104 : memref<1x128x128xf32, #tpu.memory_space<vmem>> -> memref<128x128xf32, #tpu.memory_space<vmem>>
        %swap3A_106 = arith.constant 0 : i32
        %swap3A_107 = tpu.memref_slice %swap3A_105[%scan3A_89, %swap3A_106] : memref<128x128xf32, #tpu.memory_space<vmem>> -> memref<1x128xf32, #tpu.memory_space<vmem>>
        %swap3A_108 = tpu.memref_squeeze %swap3A_107 : memref<1x128xf32, #tpu.memory_space<vmem>> -> memref<128xf32, #tpu.memory_space<vmem>>
        %swap3A_109 = arith.index_cast %mul3A_102 : i32 to index
        %swap3A_110 = tpu.vector_load %swap3A_108[%swap3A_109] {strides = array<i32>} : memref<128xf32, #tpu.memory_space<vmem>>, vector<16xf32>,
        tpu.vector_store %swap3A_108[%swap3A_109], %broadcast_in_dim3A_0 {strides = array<i32>} : memref<128xf32, #tpu.memory_space<vmem>>, vector<16xf32>,
        %scan3A_111 = arith.constant 0 : i32
        scf.yield %scan3A_111 : i32
      }
      %scan3A_97 = arith.constant 8 : i32
      %scan3A_98 = arith.constant 0 : i32
      scf.yield %scan3A_98 : i32
    }
    %scan3A_7 = arith.constant 128 : i32
    %scan3A_8 = arith.constant 0 : i32
    %scan3A_9 = arith.constant 0 : i32
    %scan3A_10 = arith.constant 0 : i32
    %scan3A_11 = arith.constant 5 : i32
    %scan3A_12 = arith.addi %scan3A_10, %scan3A_11 : i32
    %scan3A_13 = arith.constant 1 : i32
    %scan3A_14 = scf.for %scan3A_89 = %scan3A_10 to %scan3A_12 step %scan3A_13 iter_args(%scan3A_90 = %scan3A_9) -> (i32)  : i32 {
      %mul3A_91 = arith.constant 16 : i32
      %mul3A_92 = arith.muli %scan3A_89, %mul3A_91 : i32
      %add3A_93 = arith.addi %mul3A_92, %arg1 : i32
      %lt3A = arith.constant 78 : i32
      %lt3A_94 = arith.cmpi slt, %add3A_93, %lt3A : i32
      %convert_element_type3A = arith.extui %lt3A_94 : i1 to i32
      %cond3A = arith.constant 0 : i32
      %cond3A_95 = arith.cmpi ne, %convert_element_type3A, %cond3A : i32
      scf.if %cond3A_95 {
        %mul3A_102 = arith.constant 128 : i32
        %mul3A_103 = arith.muli %add3A_93, %mul3A_102 : i32
        "tpu.region"() ({
          %run_scoped3A_104 = tpu.sem_alloc : memref<!tpu.dma_semaphore, #tpu.memory_space<semaphore_mem>>
          %dma_start3A_105 = arith.constant 0 : i32
          %dma_start3A_106 = arith.constant 0 : i32
          %dma_start3A_107 = tpu.memref_slice %arg6[%scan3A_8, %dma_start3A_105, %dma_start3A_106] : memref<2x128x128xf32, #tpu.memory_space<vmem>> -> memref<1x128x128xf32, #tpu.memory_space<vmem>>
          %dma_start3A_108 = tpu.memref_squeeze %dma_start3A_107 : memref<1x128x128xf32, #tpu.memory_space<vmem>> -> memref<128x128xf32, #tpu.memory_space<vmem>>
          %dma_start3A_109 = arith.constant 0 : i32
          %dma_start3A_110 = tpu.memref_slice %arg7[%mul3A_103, %dma_start3A_109] : memref<10008x128xf32, #tpu.memory_space<vmem_shared>> -> memref<128x128xf32, #tpu.memory_space<vmem_shared>>
          %dma_start3A_111 = arith.constant 0 : i32
          %dma_start3A_112 = tpu.memref_slice %arg7[%mul3A_103, %dma_start3A_111] : memref<10008x128xf32, #tpu.memory_space<vmem_shared>> -> memref<128x128xf32, #tpu.memory_space<vmem_shared>>
          %dma_start3A_113 = arith.constant 0 : i32
          %dma_start3A_114 = arith.constant 0 : i32
          %dma_start3A_115 = tpu.memref_slice %arg6[%scan3A_8, %dma_start3A_113, %dma_start3A_114] : memref<2x128x128xf32, #tpu.memory_space<vmem>> -> memref<1x128x128xf32, #tpu.memory_space<vmem>>
          %dma_start3A_116 = tpu.memref_squeeze %dma_start3A_115 : memref<1x128x128xf32, #tpu.memory_space<vmem>> -> memref<128x128xf32, #tpu.memory_space<vmem>>
          tpu.enqueue_dma source(%dma_start3A_116 : memref<128x128xf32, #tpu.memory_space<vmem>>) target(%dma_start3A_112 : memref<128x128xf32, #tpu.memory_space<vmem_shared>>) target_semaphore(%run_scoped3A_104 : memref<!tpu.dma_semaphore, #tpu.memory_space<semaphore_mem>>)
          %dma_wait3A_117 = arith.constant 0 : i32
          %dma_wait3A_118 = arith.constant 0 : i32
          %dma_wait3A_119 = tpu.memref_slice %arg6[%scan3A_8, %dma_wait3A_117, %dma_wait3A_118] : memref<2x128x128xf32, #tpu.memory_space<vmem>> -> memref<1x128x128xf32, #tpu.memory_space<vmem>>
          %dma_wait3A_120 = tpu.memref_squeeze %dma_wait3A_119 : memref<1x128x128xf32, #tpu.memory_space<vmem>> -> memref<128x128xf32, #tpu.memory_space<vmem>>
          %dma_wait3A_121 = arith.constant 0 : i32
          %dma_wait3A_122 = tpu.memref_slice %arg7[%mul3A_103, %dma_wait3A_121] : memref<10008x128xf32, #tpu.memory_space<vmem_shared>> -> memref<128x128xf32, #tpu.memory_space<vmem_shared>>
          %dma_wait3A_123 = arith.constant 0 : i32
          %dma_wait3A_124 = tpu.memref_slice %arg7[%mul3A_103, %dma_wait3A_123] : memref<10008x128xf32, #tpu.memory_space<vmem_shared>> -> memref<128x128xf32, #tpu.memory_space<vmem_shared>>
          %dma_wait3A_125 = arith.constant 0 : i32
          %dma_wait3A_126 = arith.constant 0 : i32
          %dma_wait3A_127 = tpu.memref_slice %arg6[%scan3A_8, %dma_wait3A_125, %dma_wait3A_126] : memref<2x128x128xf32, #tpu.memory_space<vmem>> -> memref<1x128x128xf32, #tpu.memory_space<vmem>>
          %dma_wait3A_128 = tpu.memref_squeeze %dma_wait3A_127 : memref<1x128x128xf32, #tpu.memory_space<vmem>> -> memref<128x128xf32, #tpu.memory_space<vmem>>
          tpu.wait_dma2 semaphore(%run_scoped3A_104 : memref<!tpu.dma_semaphore, #tpu.memory_space<semaphore_mem>>) src(%dma_wait3A_128 : memref<128x128xf32, #tpu.memory_space<vmem>>) dst(%dma_wait3A_124 : memref<128x128xf32, #tpu.memory_space<vmem_shared>>)
          tpu.yield
        }) : () -> ()
      } else {
      }
      %eq3A_96 = arith.constant 78 : i32
      %eq3A_97 = arith.cmpi eq, %add3A_93, %eq3A_96 : i32
      %convert_element_type3A_98 = arith.extui %eq3A_97 : i1 to i32
      %cond3A_99 = arith.constant 0 : i32
      %cond3A_100 = arith.cmpi ne, %convert_element_type3A_98, %cond3A_99 : i32
      scf.if %cond3A_100 {
        %mul3A_102 = arith.constant 128 : i32
        %mul3A_103 = arith.muli %add3A_93, %mul3A_102 : i32
        "tpu.region"() ({
          %run_scoped3A_104 = tpu.sem_alloc : memref<!tpu.dma_semaphore, #tpu.memory_space<semaphore_mem>>
          %dma_start3A_105 = arith.constant 0 : i32
          %dma_start3A_106 = arith.constant 0 : i32
          %dma_start3A_107 = tpu.memref_slice %arg6[%scan3A_8, %dma_start3A_105, %dma_start3A_106] : memref<2x128x128xf32, #tpu.memory_space<vmem>> -> memref<1x128x128xf32, #tpu.memory_space<vmem>>
          %dma_start3A_108 = tpu.memref_squeeze %dma_start3A_107 : memref<1x128x128xf32, #tpu.memory_space<vmem>> -> memref<128x128xf32, #tpu.memory_space<vmem>>
          %dma_start3A_109 = arith.constant 0 : i32
          %dma_start3A_110 = arith.constant 0 : i32
          %dma_start3A_111 = tpu.memref_slice %dma_start3A_108[%dma_start3A_109, %dma_start3A_110] : memref<128x128xf32, #tpu.memory_space<vmem>> -> memref<24x128xf32, #tpu.memory_space<vmem>>
          %dma_start3A_112 = arith.constant 0 : i32
          %dma_start3A_113 = tpu.memref_slice %arg7[%mul3A_103, %dma_start3A_112] : memref<10008x128xf32, #tpu.memory_space<vmem_shared>> -> memref<24x128xf32, #tpu.memory_space<vmem_shared>>
          %dma_start3A_114 = arith.constant 0 : i32
          %dma_start3A_115 = tpu.memref_slice %arg7[%mul3A_103, %dma_start3A_114] : memref<10008x128xf32, #tpu.memory_space<vmem_shared>> -> memref<24x128xf32, #tpu.memory_space<vmem_shared>>
          %dma_start3A_116 = arith.constant 0 : i32
          %dma_start3A_117 = arith.constant 0 : i32
          %dma_start3A_118 = tpu.memref_slice %arg6[%scan3A_8, %dma_start3A_116, %dma_start3A_117] : memref<2x128x128xf32, #tpu.memory_space<vmem>> -> memref<1x128x128xf32, #tpu.memory_space<vmem>>
          %dma_start3A_119 = tpu.memref_squeeze %dma_start3A_118 : memref<1x128x128xf32, #tpu.memory_space<vmem>> -> memref<128x128xf32, #tpu.memory_space<vmem>>
          %dma_start3A_120 = arith.constant 0 : i32
          %dma_start3A_121 = arith.constant 0 : i32
          %dma_start3A_122 = tpu.memref_slice %dma_start3A_119[%dma_start3A_120, %dma_start3A_121] : memref<128x128xf32, #tpu.memory_space<vmem>> -> memref<24x128xf32, #tpu.memory_space<vmem>>
          tpu.enqueue_dma source(%dma_start3A_122 : memref<24x128xf32, #tpu.memory_space<vmem>>) target(%dma_start3A_115 : memref<24x128xf32, #tpu.memory_space<vmem_shared>>) target_semaphore(%run_scoped3A_104 : memref<!tpu.dma_semaphore, #tpu.memory_space<semaphore_mem>>)
          %dma_wait3A_123 = arith.constant 0 : i32
          %dma_wait3A_124 = arith.constant 0 : i32
          %dma_wait3A_125 = tpu.memref_slice %arg6[%scan3A_8, %dma_wait3A_123, %dma_wait3A_124] : memref<2x128x128xf32, #tpu.memory_space<vmem>> -> memref<1x128x128xf32, #tpu.memory_space<vmem>>
          %dma_wait3A_126 = tpu.memref_squeeze %dma_wait3A_125 : memref<1x128x128xf32, #tpu.memory_space<vmem>> -> memref<128x128xf32, #tpu.memory_space<vmem>>
          %dma_wait3A_127 = arith.constant 0 : i32
          %dma_wait3A_128 = arith.constant 0 : i32
          %dma_wait3A_129 = tpu.memref_slice %dma_wait3A_126[%dma_wait3A_127, %dma_wait3A_128] : memref<128x128xf32, #tpu.memory_space<vmem>> -> memref<24x128xf32, #tpu.memory_space<vmem>>
          %dma_wait3A_130 = arith.constant 0 : i32
          %dma_wait3A_131 = tpu.memref_slice %arg7[%mul3A_103, %dma_wait3A_130] : memref<10008x128xf32, #tpu.memory_space<vmem_shared>> -> memref<24x128xf32, #tpu.memory_space<vmem_shared>>
          %dma_wait3A_132 = arith.constant 0 : i32
          %dma_wait3A_133 = tpu.memref_slice %arg7[%mul3A_103, %dma_wait3A_132] : memref<10008x128xf32, #tpu.memory_space<vmem_shared>> -> memref<24x128xf32, #tpu.memory_space<vmem_shared>>
          %dma_wait3A_134 = arith.constant 0 : i32
          %dma_wait3A_135 = arith.constant 0 : i32
          %dma_wait3A_136 = tpu.memref_slice %arg6[%scan3A_8, %dma_wait3A_134, %dma_wait3A_135] : memref<2x128x128xf32, #tpu.memory_space<vmem>> -> memref<1x128x128xf32, #tpu.memory_space<vmem>>
          %dma_wait3A_137 = tpu.memref_squeeze %dma_wait3A_136 : memref<1x128x128xf32, #tpu.memory_space<vmem>> -> memref<128x128xf32, #tpu.memory_space<vmem>>
          %dma_wait3A_138 = arith.constant 0 : i32
          %dma_wait3A_139 = arith.constant 0 : i32
          %dma_wait3A_140 = tpu.memref_slice %dma_wait3A_137[%dma_wait3A_138, %dma_wait3A_139] : memref<128x128xf32, #tpu.memory_space<vmem>> -> memref<24x128xf32, #tpu.memory_space<vmem>>
          tpu.wait_dma2 semaphore(%run_scoped3A_104 : memref<!tpu.dma_semaphore, #tpu.memory_space<semaphore_mem>>) src(%dma_wait3A_140 : memref<24x128xf32, #tpu.memory_space<vmem>>) dst(%dma_wait3A_133 : memref<24x128xf32, #tpu.memory_space<vmem_shared>>)
          tpu.yield
        }) : () -> ()
      } else {
      }
      %scan3A_101 = arith.constant 0 : i32
      scf.yield %scan3A_101 : i32
    }
    %scan3A_15 = arith.constant 5 : i32
    %broadcast_in_dim3A_16 = arith.constant 1.000000e+00 : f32
    %broadcast_in_dim3A_17 = vector.broadcast %broadcast_in_dim3A_16 : f32 to vector<16xf32>
    %barrier3A = arith.constant 0 : index
    tpu.barrier barrier_id(%barrier3A)
    %eq3A = arith.constant 0 : i32
    %eq3A_18 = arith.cmpi eq, %arg0, %eq3A : i32
    %mul3A = arith.constant 103 : i32
    %mul3A_19 = arith.muli %arg1, %mul3A : i32
    %mul3A_20 = arith.constant 54 : i32
    %mul3A_21 = arith.muli %arg1, %mul3A_20 : i32
    %add3A = arith.constant 1648 : i32
    %add3A_22 = arith.addi %add3A, %mul3A_21 : i32
    %select_n3A = arith.select %eq3A_18, %mul3A_19, %add3A_22 : i32
    %eq3A_23 = arith.constant 0 : i32
    %eq3A_24 = arith.cmpi eq, %arg0, %eq3A_23 : i32
    %jit3A = arith.constant 103 : i32
    %jit3A_25 = arith.constant 54 : i32
    %select_n3A_26 = arith.select %eq3A_24, %jit3A, %jit3A_25 : i32
    %run_scoped3A = arith.constant 0 : i32
    "tpu.region"() ({
      %run_scoped3A_89 = tpu.sem_alloc : memref<!tpu.dma_semaphore, #tpu.memory_space<semaphore_mem>>
      %dma_start3A_90 = arith.constant 0 : i32
      %dma_start3A_91 = arith.constant 0 : i32
      %dma_start3A_92 = tpu.memref_slice %arg5[%run_scoped3A, %dma_start3A_90, %dma_start3A_91] : memref<3x2x128xi32, #tpu.memory_space<vmem>> -> memref<1x2x128xi32, #tpu.memory_space<vmem>>
      %dma_start3A_93 = tpu.memref_squeeze %dma_start3A_92 : memref<1x2x128xi32, #tpu.memory_space<vmem>> -> memref<2x128xi32, #tpu.memory_space<vmem>>
      %dma_start3A_94 = arith.constant 0 : i32
      %dma_start3A_95 = arith.constant 0 : i32
      %dma_start3A_96 = tpu.memref_slice %arg3[%select_n3A, %dma_start3A_94, %dma_start3A_95] : memref<2512x2x128xi32, #tpu.memory_space<hbm>> -> memref<1x2x128xi32, #tpu.memory_space<hbm>>
      %dma_start3A_97 = tpu.memref_squeeze %dma_start3A_96 : memref<1x2x128xi32, #tpu.memory_space<hbm>> -> memref<2x128xi32, #tpu.memory_space<hbm>>
      %dma_start3A_98 = arith.constant 0 : i32
      %dma_start3A_99 = arith.constant 0 : i32
      %dma_start3A_100 = tpu.memref_slice %arg5[%run_scoped3A, %dma_start3A_98, %dma_start3A_99] : memref<3x2x128xi32, #tpu.memory_space<vmem>> -> memref<1x2x128xi32, #tpu.memory_space<vmem>>
      %dma_start3A_101 = tpu.memref_squeeze %dma_start3A_100 : memref<1x2x128xi32, #tpu.memory_space<vmem>> -> memref<2x128xi32, #tpu.memory_space<vmem>>
      %dma_start3A_102 = arith.constant 0 : i32
      %dma_start3A_103 = arith.constant 0 : i32
      %dma_start3A_104 = tpu.memref_slice %arg3[%select_n3A, %dma_start3A_102, %dma_start3A_103] : memref<2512x2x128xi32, #tpu.memory_space<hbm>> -> memref<1x2x128xi32, #tpu.memory_space<hbm>>
      %dma_start3A_105 = tpu.memref_squeeze %dma_start3A_104 : memref<1x2x128xi32, #tpu.memory_space<hbm>> -> memref<2x128xi32, #tpu.memory_space<hbm>>
      tpu.enqueue_dma source(%dma_start3A_105 : memref<2x128xi32, #tpu.memory_space<hbm>>) target(%dma_start3A_101 : memref<2x128xi32, #tpu.memory_space<vmem>>) target_semaphore(%run_scoped3A_89 : memref<!tpu.dma_semaphore, #tpu.memory_space<semaphore_mem>>)
      %dma_wait3A_106 = arith.constant 0 : i32
      %dma_wait3A_107 = arith.constant 0 : i32
      %dma_wait3A_108 = tpu.memref_slice %arg5[%run_scoped3A, %dma_wait3A_106, %dma_wait3A_107] : memref<3x2x128xi32, #tpu.memory_space<vmem>> -> memref<1x2x128xi32, #tpu.memory_space<vmem>>
      %dma_wait3A_109 = tpu.memref_squeeze %dma_wait3A_108 : memref<1x2x128xi32, #tpu.memory_space<vmem>> -> memref<2x128xi32, #tpu.memory_space<vmem>>
      %dma_wait3A_110 = arith.constant 0 : i32
      %dma_wait3A_111 = arith.constant 0 : i32
      %dma_wait3A_112 = tpu.memref_slice %arg3[%select_n3A, %dma_wait3A_110, %dma_wait3A_111] : memref<2512x2x128xi32, #tpu.memory_space<hbm>> -> memref<1x2x128xi32, #tpu.memory_space<hbm>>
      %dma_wait3A_113 = tpu.memref_squeeze %dma_wait3A_112 : memref<1x2x128xi32, #tpu.memory_space<hbm>> -> memref<2x128xi32, #tpu.memory_space<hbm>>
      %dma_wait3A_114 = arith.constant 0 : i32
      %dma_wait3A_115 = arith.constant 0 : i32
      %dma_wait3A_116 = tpu.memref_slice %arg5[%run_scoped3A, %dma_wait3A_114, %dma_wait3A_115] : memref<3x2x128xi32, #tpu.memory_space<vmem>> -> memref<1x2x128xi32, #tpu.memory_space<vmem>>
      %dma_wait3A_117 = tpu.memref_squeeze %dma_wait3A_116 : memref<1x2x128xi32, #tpu.memory_space<vmem>> -> memref<2x128xi32, #tpu.memory_space<vmem>>
      %dma_wait3A_118 = arith.constant 0 : i32
      %dma_wait3A_119 = arith.constant 0 : i32
      %dma_wait3A_120 = tpu.memref_slice %arg3[%select_n3A, %dma_wait3A_118, %dma_wait3A_119] : memref<2512x2x128xi32, #tpu.memory_space<hbm>> -> memref<1x2x128xi32, #tpu.memory_space<hbm>>
      %dma_wait3A_121 = tpu.memref_squeeze %dma_wait3A_120 : memref<1x2x128xi32, #tpu.memory_space<hbm>> -> memref<2x128xi32, #tpu.memory_space<hbm>>
      tpu.wait_dma2 semaphore(%run_scoped3A_89 : memref<!tpu.dma_semaphore, #tpu.memory_space<semaphore_mem>>) src(%dma_wait3A_121 : memref<2x128xi32, #tpu.memory_space<hbm>>) dst(%dma_wait3A_117 : memref<2x128xi32, #tpu.memory_space<vmem>>)
      tpu.yield
    }) : () -> ()
    %add3A_27 = arith.constant 1 : i32
    %add3A_28 = arith.addi %select_n3A, %add3A_27 : i32
    %dma_start3A = arith.constant 1 : i32
    %dma_start3A_29 = arith.constant 0 : i32
    %dma_start3A_30 = arith.constant 0 : i32
    %dma_start3A_31 = tpu.memref_slice %arg5[%dma_start3A, %dma_start3A_29, %dma_start3A_30] : memref<3x2x128xi32, #tpu.memory_space<vmem>> -> memref<1x2x128xi32, #tpu.memory_space<vmem>>
    %dma_start3A_32 = tpu.memref_squeeze %dma_start3A_31 : memref<1x2x128xi32, #tpu.memory_space<vmem>> -> memref<2x128xi32, #tpu.memory_space<vmem>>
    %dma_start3A_33 = arith.constant 0 : i32
    %dma_start3A_34 = arith.constant 0 : i32
    %dma_start3A_35 = tpu.memref_slice %arg3[%add3A_28, %dma_start3A_33, %dma_start3A_34] : memref<2512x2x128xi32, #tpu.memory_space<hbm>> -> memref<1x2x128xi32, #tpu.memory_space<hbm>>
    %dma_start3A_36 = tpu.memref_squeeze %dma_start3A_35 : memref<1x2x128xi32, #tpu.memory_space<hbm>> -> memref<2x128xi32, #tpu.memory_space<hbm>>
    %dma_start3A_37 = arith.constant 0 : i32
    %dma_start3A_38 = arith.constant 0 : i32
    %dma_start3A_39 = tpu.memref_slice %arg5[%dma_start3A, %dma_start3A_37, %dma_start3A_38] : memref<3x2x128xi32, #tpu.memory_space<vmem>> -> memref<1x2x128xi32, #tpu.memory_space<vmem>>
    %dma_start3A_40 = tpu.memref_squeeze %dma_start3A_39 : memref<1x2x128xi32, #tpu.memory_space<vmem>> -> memref<2x128xi32, #tpu.memory_space<vmem>>
    %dma_start3A_41 = arith.constant 0 : i32
    %dma_start3A_42 = arith.constant 0 : i32
    %dma_start3A_43 = tpu.memref_slice %arg3[%add3A_28, %dma_start3A_41, %dma_start3A_42] : memref<2512x2x128xi32, #tpu.memory_space<hbm>> -> memref<1x2x128xi32, #tpu.memory_space<hbm>>
    %dma_start3A_44 = tpu.memref_squeeze %dma_start3A_43 : memref<1x2x128xi32, #tpu.memory_space<hbm>> -> memref<2x128xi32, #tpu.memory_space<hbm>>
    tpu.enqueue_dma source(%dma_start3A_44 : memref<2x128xi32, #tpu.memory_space<hbm>>) target(%dma_start3A_40 : memref<2x128xi32, #tpu.memory_space<vmem>>) target_semaphore(%arg9 : memref<!tpu.dma_semaphore, #tpu.memory_space<semaphore_mem>>)
    %dma_start3A_45 = arith.constant 0 : i32
    %dma_start3A_46 = arith.constant 0 : i32
    %dma_start3A_47 = arith.constant 0 : i32
    %dma_start3A_48 = arith.constant 0 : i32
    %dma_start3A_49 = arith.constant 0 : i32
    %dma_start3A_50 = tpu.memref_slice %arg6[%dma_start3A_47, %dma_start3A_48, %dma_start3A_49] : memref<2x128x128xf32, #tpu.memory_space<vmem>> -> memref<1x128x128xf32, #tpu.memory_space<vmem>>
    %dma_start3A_51 = tpu.memref_squeeze %dma_start3A_50 : memref<1x128x128xf32, #tpu.memory_space<vmem>> -> memref<128x128xf32, #tpu.memory_space<vmem>>
    %dma_start3A_52 = arith.constant 0 : i32
    %dma_start3A_53 = tpu.memref_slice %arg5[%dma_start3A_45, %dma_start3A_46, %dma_start3A_52] : memref<3x2x128xi32, #tpu.memory_space<vmem>> -> memref<1x1x128xi32, #tpu.memory_space<vmem>>
    %dma_start3A_54 = tpu.memref_squeeze %dma_start3A_53 : memref<1x1x128xi32, #tpu.memory_space<vmem>> -> memref<128xi32, #tpu.memory_space<vmem>>
    %dma_start3A_55 = arith.constant 0 : i32
    %dma_start3A_56 = arith.constant 0 : i32
    %dma_start3A_57 = tpu.memref_slice %arg2[%dma_start3A_55, %dma_start3A_56] : memref<10000x128xf32, #tpu.memory_space<hbm>> -> memref<10000x128xf32, #tpu.memory_space<hbm>>
    tpu.enqueue_indirect_dma source(%dma_start3A_57 : memref<10000x128xf32, #tpu.memory_space<hbm>>) target(%dma_start3A_51 : memref<128x128xf32, #tpu.memory_space<vmem>>) offsets(%dma_start3A_54 : memref<128xi32, #tpu.memory_space<vmem>>) semaphore(%arg8 : memref<!tpu.dma_semaphore, #tpu.memory_space<semaphore_mem>>)
    %scan3A_58 = arith.constant 0 : i32
    %scan3A_59 = arith.constant 0 : i32
    %scan3A_60 = arith.constant 103 : i32
    %scan3A_61 = arith.addi %scan3A_59, %scan3A_60 : i32
    %scan3A_62 = arith.constant 1 : i32
    %scan3A_63 = scf.for %scan3A_89 = %scan3A_59 to %scan3A_61 step %scan3A_62 iter_args(%scan3A_90 = %scan3A_58) -> (i32)  : i32 {
      %rem3A_91 = arith.constant 2 : i32
      %rem3A_92 = arith.remsi %scan3A_89, %rem3A_91 : i32
      %add3A_93 = arith.constant 1 : i32
      %add3A_94 = arith.addi %scan3A_89, %add3A_93 : i32
      %rem3A_95 = arith.constant 2 : i32
      %rem3A_96 = arith.remsi %add3A_94, %rem3A_95 : i32
      %rem3A_97 = arith.constant 3 : i32
      %rem3A_98 = arith.remsi %scan3A_89, %rem3A_97 : i32
      %add3A_99 = arith.constant 1 : i32
      %add3A_100 = arith.addi %scan3A_89, %add3A_99 : i32
      %rem3A_101 = arith.constant 3 : i32
      %rem3A_102 = arith.remsi %add3A_100, %rem3A_101 : i32
      %add3A_103 = arith.constant 2 : i32
      %add3A_104 = arith.addi %scan3A_89, %add3A_103 : i32
      %rem3A_105 = arith.constant 3 : i32
      %rem3A_106 = arith.remsi %add3A_104, %rem3A_105 : i32
      %lt3A = arith.cmpi slt, %scan3A_89, %select_n3A_26 : i32
      %convert_element_type3A = arith.extui %lt3A : i1 to i32
      %cond3A = arith.constant 0 : i32
      %cond3A_107 = arith.cmpi ne, %convert_element_type3A, %cond3A : i32
      scf.if %cond3A_107 {
        %add3A_109 = arith.constant 1 : i32
        %add3A_110 = arith.addi %scan3A_89, %add3A_109 : i32
        %lt3A_111 = arith.cmpi slt, %add3A_110, %select_n3A_26 : i32
        %convert_element_type3A_112 = arith.extui %lt3A_111 : i1 to i32
        %cond3A_113 = arith.constant 0 : i32
        %cond3A_114 = arith.cmpi ne, %convert_element_type3A_112, %cond3A_113 : i32
        scf.if %cond3A_114 {
          %add3A_153 = arith.addi %select_n3A, %scan3A_89 : i32
          %add3A_154 = arith.constant 1 : i32
          %add3A_155 = arith.addi %add3A_153, %add3A_154 : i32
          %dma_wait3A_156 = arith.constant 0 : i32
          %dma_wait3A_157 = arith.constant 0 : i32
          %dma_wait3A_158 = tpu.memref_slice %arg5[%rem3A_102, %dma_wait3A_156, %dma_wait3A_157] : memref<3x2x128xi32, #tpu.memory_space<vmem>> -> memref<1x2x128xi32, #tpu.memory_space<vmem>>
          %dma_wait3A_159 = tpu.memref_squeeze %dma_wait3A_158 : memref<1x2x128xi32, #tpu.memory_space<vmem>> -> memref<2x128xi32, #tpu.memory_space<vmem>>
          %dma_wait3A_160 = arith.constant 0 : i32
          %dma_wait3A_161 = arith.constant 0 : i32
          %dma_wait3A_162 = tpu.memref_slice %arg3[%add3A_155, %dma_wait3A_160, %dma_wait3A_161] : memref<2512x2x128xi32, #tpu.memory_space<hbm>> -> memref<1x2x128xi32, #tpu.memory_space<hbm>>
          %dma_wait3A_163 = tpu.memref_squeeze %dma_wait3A_162 : memref<1x2x128xi32, #tpu.memory_space<hbm>> -> memref<2x128xi32, #tpu.memory_space<hbm>>
          %dma_wait3A_164 = arith.constant 0 : i32
          %dma_wait3A_165 = arith.constant 0 : i32
          %dma_wait3A_166 = tpu.memref_slice %arg5[%rem3A_102, %dma_wait3A_164, %dma_wait3A_165] : memref<3x2x128xi32, #tpu.memory_space<vmem>> -> memref<1x2x128xi32, #tpu.memory_space<vmem>>
          %dma_wait3A_167 = tpu.memref_squeeze %dma_wait3A_166 : memref<1x2x128xi32, #tpu.memory_space<vmem>> -> memref<2x128xi32, #tpu.memory_space<vmem>>
          %dma_wait3A_168 = arith.constant 0 : i32
          %dma_wait3A_169 = arith.constant 0 : i32
          %dma_wait3A_170 = tpu.memref_slice %arg3[%add3A_155, %dma_wait3A_168, %dma_wait3A_169] : memref<2512x2x128xi32, #tpu.memory_space<hbm>> -> memref<1x2x128xi32, #tpu.memory_space<hbm>>
          %dma_wait3A_171 = tpu.memref_squeeze %dma_wait3A_170 : memref<1x2x128xi32, #tpu.memory_space<hbm>> -> memref<2x128xi32, #tpu.memory_space<hbm>>
          tpu.wait_dma2 semaphore(%arg9 : memref<!tpu.dma_semaphore, #tpu.memory_space<semaphore_mem>>) src(%dma_wait3A_171 : memref<2x128xi32, #tpu.memory_space<hbm>>) dst(%dma_wait3A_167 : memref<2x128xi32, #tpu.memory_space<vmem>>)
        } else {
        }
        %dma_wait3A_115 = arith.constant 0 : i32
        %dma_wait3A_116 = arith.constant 0 : i32
        %dma_wait3A_117 = arith.constant 0 : i32
        %dma_wait3A_118 = tpu.memref_slice %arg6[%rem3A_92, %dma_wait3A_116, %dma_wait3A_117] : memref<2x128x128xf32, #tpu.memory_space<vmem>> -> memref<1x128x128xf32, #tpu.memory_space<vmem>>
        %dma_wait3A_119 = tpu.memref_squeeze %dma_wait3A_118 : memref<1x128x128xf32, #tpu.memory_space<vmem>> -> memref<128x128xf32, #tpu.memory_space<vmem>>
        %dma_wait3A_120 = arith.constant 0 : i32
        %dma_wait3A_121 = tpu.memref_slice %arg5[%rem3A_98, %dma_wait3A_115, %dma_wait3A_120] : memref<3x2x128xi32, #tpu.memory_space<vmem>> -> memref<1x1x128xi32, #tpu.memory_space<vmem>>
        %dma_wait3A_122 = tpu.memref_squeeze %dma_wait3A_121 : memref<1x1x128xi32, #tpu.memory_space<vmem>> -> memref<128xi32, #tpu.memory_space<vmem>>
        %dma_wait3A_123 = arith.constant 0 : i32
        %dma_wait3A_124 = arith.constant 0 : i32
        %dma_wait3A_125 = tpu.memref_slice %arg2[%dma_wait3A_123, %dma_wait3A_124] : memref<10000x128xf32, #tpu.memory_space<hbm>> -> memref<10000x128xf32, #tpu.memory_space<hbm>>
        tpu.wait_indirect_dma semaphore(%arg8 : memref<!tpu.dma_semaphore, #tpu.memory_space<semaphore_mem>>) src(%dma_wait3A_125 : memref<10000x128xf32, #tpu.memory_space<hbm>>) dst(%dma_wait3A_119 : memref<128x128xf32, #tpu.memory_space<vmem>>)
        %gt3A = arith.constant 0 : i32
        %gt3A_126 = arith.cmpi sgt, %scan3A_89, %gt3A : i32
        %convert_element_type3A_127 = arith.extui %gt3A_126 : i1 to i32
        %cond3A_128 = arith.constant 0 : i32
        %cond3A_129 = arith.cmpi ne, %convert_element_type3A_127, %cond3A_128 : i32
        scf.if %cond3A_129 {
          %dma_wait3A_153 = arith.constant 1 : i32
          %dma_wait3A_154 = arith.constant 0 : i32
          %dma_wait3A_155 = arith.constant 0 : i32
          %dma_wait3A_156 = tpu.memref_slice %arg6[%rem3A_96, %dma_wait3A_154, %dma_wait3A_155] : memref<2x128x128xf32, #tpu.memory_space<vmem>> -> memref<1x128x128xf32, #tpu.memory_space<vmem>>
          %dma_wait3A_157 = tpu.memref_squeeze %dma_wait3A_156 : memref<1x128x128xf32, #tpu.memory_space<vmem>> -> memref<128x128xf32, #tpu.memory_space<vmem>>
          %dma_wait3A_158 = arith.constant 0 : i32
          %dma_wait3A_159 = tpu.memref_slice %arg5[%rem3A_106, %dma_wait3A_153, %dma_wait3A_158] : memref<3x2x128xi32, #tpu.memory_space<vmem>> -> memref<1x1x128xi32, #tpu.memory_space<vmem>>
          %dma_wait3A_160 = tpu.memref_squeeze %dma_wait3A_159 : memref<1x1x128xi32, #tpu.memory_space<vmem>> -> memref<128xi32, #tpu.memory_space<vmem>>
          %dma_wait3A_161 = arith.constant 0 : i32
          %dma_wait3A_162 = arith.constant 0 : i32
          %dma_wait3A_163 = tpu.memref_slice %arg7[%dma_wait3A_161, %dma_wait3A_162] : memref<10008x128xf32, #tpu.memory_space<vmem_shared>> -> memref<10008x128xf32, #tpu.memory_space<vmem_shared>>
          tpu.wait_indirect_dma semaphore(%arg10 : memref<!tpu.dma_semaphore, #tpu.memory_space<semaphore_mem>>) src(%dma_wait3A_157 : memref<128x128xf32, #tpu.memory_space<vmem>>) dst(%dma_wait3A_163 : memref<10008x128xf32, #tpu.memory_space<vmem_shared>>)
        } else {
        }
        %add3A_130 = arith.constant 1 : i32
        %add3A_131 = arith.addi %scan3A_89, %add3A_130 : i32
        %lt3A_132 = arith.cmpi slt, %add3A_131, %select_n3A_26 : i32
        %convert_element_type3A_133 = arith.extui %lt3A_132 : i1 to i32
        %cond3A_134 = arith.constant 0 : i32
        %cond3A_135 = arith.cmpi ne, %convert_element_type3A_133, %cond3A_134 : i32
        scf.if %cond3A_135 {
          %dma_start3A_153 = arith.constant 0 : i32
          %dma_start3A_154 = arith.constant 0 : i32
          %dma_start3A_155 = arith.constant 0 : i32
          %dma_start3A_156 = tpu.memref_slice %arg6[%rem3A_96, %dma_start3A_154, %dma_start3A_155] : memref<2x128x128xf32, #tpu.memory_space<vmem>> -> memref<1x128x128xf32, #tpu.memory_space<vmem>>
          %dma_start3A_157 = tpu.memref_squeeze %dma_start3A_156 : memref<1x128x128xf32, #tpu.memory_space<vmem>> -> memref<128x128xf32, #tpu.memory_space<vmem>>
          %dma_start3A_158 = arith.constant 0 : i32
          %dma_start3A_159 = tpu.memref_slice %arg5[%rem3A_102, %dma_start3A_153, %dma_start3A_158] : memref<3x2x128xi32, #tpu.memory_space<vmem>> -> memref<1x1x128xi32, #tpu.memory_space<vmem>>
          %dma_start3A_160 = tpu.memref_squeeze %dma_start3A_159 : memref<1x1x128xi32, #tpu.memory_space<vmem>> -> memref<128xi32, #tpu.memory_space<vmem>>
          %dma_start3A_161 = arith.constant 0 : i32
          %dma_start3A_162 = arith.constant 0 : i32
          %dma_start3A_163 = tpu.memref_slice %arg2[%dma_start3A_161, %dma_start3A_162] : memref<10000x128xf32, #tpu.memory_space<hbm>> -> memref<10000x128xf32, #tpu.memory_space<hbm>>
          tpu.enqueue_indirect_dma source(%dma_start3A_163 : memref<10000x128xf32, #tpu.memory_space<hbm>>) target(%dma_start3A_157 : memref<128x128xf32, #tpu.memory_space<vmem>>) offsets(%dma_start3A_160 : memref<128xi32, #tpu.memory_space<vmem>>) semaphore(%arg8 : memref<!tpu.dma_semaphore, #tpu.memory_space<semaphore_mem>>)
        } else {
        }
        %dma_start3A_136 = arith.constant 1 : i32
        %dma_start3A_137 = arith.constant 0 : i32
        %dma_start3A_138 = arith.constant 0 : i32
        %dma_start3A_139 = tpu.memref_slice %arg6[%rem3A_92, %dma_start3A_137, %dma_start3A_138] : memref<2x128x128xf32, #tpu.memory_space<vmem>> -> memref<1x128x128xf32, #tpu.memory_space<vmem>>
        %dma_start3A_140 = tpu.memref_squeeze %dma_start3A_139 : memref<1x128x128xf32, #tpu.memory_space<vmem>> -> memref<128x128xf32, #tpu.memory_space<vmem>>
        %dma_start3A_141 = arith.constant 0 : i32
        %dma_start3A_142 = tpu.memref_slice %arg5[%rem3A_98, %dma_start3A_136, %dma_start3A_141] : memref<3x2x128xi32, #tpu.memory_space<vmem>> -> memref<1x1x128xi32, #tpu.memory_space<vmem>>
        %dma_start3A_143 = tpu.memref_squeeze %dma_start3A_142 : memref<1x1x128xi32, #tpu.memory_space<vmem>> -> memref<128xi32, #tpu.memory_space<vmem>>
        %dma_start3A_144 = arith.constant 0 : i32
        %dma_start3A_145 = arith.constant 0 : i32
        %dma_start3A_146 = tpu.memref_slice %arg7[%dma_start3A_144, %dma_start3A_145] : memref<10008x128xf32, #tpu.memory_space<vmem_shared>> -> memref<10008x128xf32, #tpu.memory_space<vmem_shared>>
        tpu.enqueue_indirect_dma source(%dma_start3A_140 : memref<128x128xf32, #tpu.memory_space<vmem>>) target(%dma_start3A_146 : memref<10008x128xf32, #tpu.memory_space<vmem_shared>>) offsets(%dma_start3A_143 : memref<128xi32, #tpu.memory_space<vmem>>) semaphore(%arg10 : memref<!tpu.dma_semaphore, #tpu.memory_space<semaphore_mem>>) {add = true}
        %add3A_147 = arith.constant 2 : i32
        %add3A_148 = arith.addi %scan3A_89, %add3A_147 : i32
        %lt3A_149 = arith.cmpi slt, %add3A_148, %select_n3A_26 : i32
        %convert_element_type3A_150 = arith.extui %lt3A_149 : i1 to i32
        %cond3A_151 = arith.constant 0 : i32
        %cond3A_152 = arith.cmpi ne, %convert_element_type3A_150, %cond3A_151 : i32
        scf.if %cond3A_152 {
          %add3A_153 = arith.addi %select_n3A, %scan3A_89 : i32
          %add3A_154 = arith.constant 2 : i32
          %add3A_155 = arith.addi %add3A_153, %add3A_154 : i32
          %dma_start3A_156 = arith.constant 0 : i32
          %dma_start3A_157 = arith.constant 0 : i32
          %dma_start3A_158 = tpu.memref_slice %arg5[%rem3A_106, %dma_start3A_156, %dma_start3A_157] : memref<3x2x128xi32, #tpu.memory_space<vmem>> -> memref<1x2x128xi32, #tpu.memory_space<vmem>>
          %dma_start3A_159 = tpu.memref_squeeze %dma_start3A_158 : memref<1x2x128xi32, #tpu.memory_space<vmem>> -> memref<2x128xi32, #tpu.memory_space<vmem>>
          %dma_start3A_160 = arith.constant 0 : i32
          %dma_start3A_161 = arith.constant 0 : i32
          %dma_start3A_162 = tpu.memref_slice %arg3[%add3A_155, %dma_start3A_160, %dma_start3A_161] : memref<2512x2x128xi32, #tpu.memory_space<hbm>> -> memref<1x2x128xi32, #tpu.memory_space<hbm>>
          %dma_start3A_163 = tpu.memref_squeeze %dma_start3A_162 : memref<1x2x128xi32, #tpu.memory_space<hbm>> -> memref<2x128xi32, #tpu.memory_space<hbm>>
          %dma_start3A_164 = arith.constant 0 : i32
          %dma_start3A_165 = arith.constant 0 : i32
          %dma_start3A_166 = tpu.memref_slice %arg5[%rem3A_106, %dma_start3A_164, %dma_start3A_165] : memref<3x2x128xi32, #tpu.memory_space<vmem>> -> memref<1x2x128xi32, #tpu.memory_space<vmem>>
          %dma_start3A_167 = tpu.memref_squeeze %dma_start3A_166 : memref<1x2x128xi32, #tpu.memory_space<vmem>> -> memref<2x128xi32, #tpu.memory_space<vmem>>
          %dma_start3A_168 = arith.constant 0 : i32
          %dma_start3A_169 = arith.constant 0 : i32
          %dma_start3A_170 = tpu.memref_slice %arg3[%add3A_155, %dma_start3A_168, %dma_start3A_169] : memref<2512x2x128xi32, #tpu.memory_space<hbm>> -> memref<1x2x128xi32, #tpu.memory_space<hbm>>
          %dma_start3A_171 = tpu.memref_squeeze %dma_start3A_170 : memref<1x2x128xi32, #tpu.memory_space<hbm>> -> memref<2x128xi32, #tpu.memory_space<hbm>>
          tpu.enqueue_dma source(%dma_start3A_171 : memref<2x128xi32, #tpu.memory_space<hbm>>) target(%dma_start3A_167 : memref<2x128xi32, #tpu.memory_space<vmem>>) target_semaphore(%arg9 : memref<!tpu.dma_semaphore, #tpu.memory_space<semaphore_mem>>)
        } else {
        }
      } else {
      }
      %scan3A_108 = arith.constant 0 : i32
      scf.yield %scan3A_108 : i32
    }
    %scan3A_64 = arith.constant 103 : i32
    %sub3A = arith.constant 1 : i32
    %sub3A_65 = arith.subi %select_n3A_26, %sub3A : i32
    %rem3A = arith.constant 2 : i32
    %rem3A_66 = arith.remsi %sub3A_65, %rem3A : i32
    %sub3A_67 = arith.constant 1 : i32
    %sub3A_68 = arith.subi %select_n3A_26, %sub3A_67 : i32
    %rem3A_69 = arith.constant 3 : i32
    %rem3A_70 = arith.remsi %sub3A_68, %rem3A_69 : i32
    %dma_wait3A = arith.constant 1 : i32
    %dma_wait3A_71 = arith.constant 0 : i32
    %dma_wait3A_72 = arith.constant 0 : i32
    %dma_wait3A_73 = tpu.memref_slice %arg6[%rem3A_66, %dma_wait3A_71, %dma_wait3A_72] : memref<2x128x128xf32, #tpu.memory_space<vmem>> -> memref<1x128x128xf32, #tpu.memory_space<vmem>>
    %dma_wait3A_74 = tpu.memref_squeeze %dma_wait3A_73 : memref<1x128x128xf32, #tpu.memory_space<vmem>> -> memref<128x128xf32, #tpu.memory_space<vmem>>
    %dma_wait3A_75 = arith.constant 0 : i32
    %dma_wait3A_76 = tpu.memref_slice %arg5[%rem3A_70, %dma_wait3A, %dma_wait3A_75] : memref<3x2x128xi32, #tpu.memory_space<vmem>> -> memref<1x1x128xi32, #tpu.memory_space<vmem>>
    %dma_wait3A_77 = tpu.memref_squeeze %dma_wait3A_76 : memref<1x1x128xi32, #tpu.memory_space<vmem>> -> memref<128xi32, #tpu.memory_space<vmem>>
    %dma_wait3A_78 = arith.constant 0 : i32
    %dma_wait3A_79 = arith.constant 0 : i32
    %dma_wait3A_80 = tpu.memref_slice %arg7[%dma_wait3A_78, %dma_wait3A_79] : memref<10008x128xf32, #tpu.memory_space<vmem_shared>> -> memref<10008x128xf32, #tpu.memory_space<vmem_shared>>
    tpu.wait_indirect_dma semaphore(%arg10 : memref<!tpu.dma_semaphore, #tpu.memory_space<semaphore_mem>>) src(%dma_wait3A_74 : memref<128x128xf32, #tpu.memory_space<vmem>>) dst(%dma_wait3A_80 : memref<10008x128xf32, #tpu.memory_space<vmem_shared>>)
    %barrier3A_81 = arith.constant 0 : index
    tpu.barrier barrier_id(%barrier3A_81)
    %scan3A_82 = arith.constant 0 : i32
    %scan3A_83 = arith.constant 0 : i32
    %scan3A_84 = arith.constant 5 : i32
    %scan3A_85 = arith.addi %scan3A_83, %scan3A_84 : i32
    %scan3A_86 = arith.constant 1 : i32
    %scan3A_87 = scf.for %scan3A_89 = %scan3A_83 to %scan3A_85 step %scan3A_86 iter_args(%scan3A_90 = %scan3A_82) -> (i32)  : i32 {
      %mul3A_91 = arith.constant 16 : i32
      %mul3A_92 = arith.muli %scan3A_89, %mul3A_91 : i32
      %add3A_93 = arith.addi %mul3A_92, %arg1 : i32
      %lt3A = arith.constant 78 : i32
      %lt3A_94 = arith.cmpi slt, %add3A_93, %lt3A : i32
      %convert_element_type3A = arith.extui %lt3A_94 : i1 to i32
      %cond3A = arith.constant 0 : i32
      %cond3A_95 = arith.cmpi ne, %convert_element_type3A, %cond3A : i32
      scf.if %cond3A_95 {
        %mul3A_102 = arith.constant 128 : i32
        %mul3A_103 = arith.muli %add3A_93, %mul3A_102 : i32
        %mul3A_104 = arith.constant 128 : i32
        %mul3A_105 = arith.muli %add3A_93, %mul3A_104 : i32
        "tpu.region"() ({
          %run_scoped3A_106 = tpu.sem_alloc : memref<!tpu.dma_semaphore, #tpu.memory_space<semaphore_mem>>
          %dma_start3A_107 = arith.constant 0 : i32
          %dma_start3A_108 = tpu.memref_slice %arg4[%arg0, %mul3A_105, %dma_start3A_107] : memref<2x10000x128xf32, #tpu.memory_space<hbm>> -> memref<1x128x128xf32, #tpu.memory_space<hbm>>
          %dma_start3A_109 = tpu.memref_squeeze %dma_start3A_108 : memref<1x128x128xf32, #tpu.memory_space<hbm>> -> memref<128x128xf32, #tpu.memory_space<hbm>>
          %dma_start3A_110 = arith.constant 0 : i32
          %dma_start3A_111 = tpu.memref_slice %arg7[%mul3A_103, %dma_start3A_110] : memref<10008x128xf32, #tpu.memory_space<vmem_shared>> -> memref<128x128xf32, #tpu.memory_space<vmem_shared>>
          tpu.enqueue_dma source(%dma_start3A_111 : memref<128x128xf32, #tpu.memory_space<vmem_shared>>) target(%dma_start3A_109 : memref<128x128xf32, #tpu.memory_space<hbm>>) target_semaphore(%run_scoped3A_106 : memref<!tpu.dma_semaphore, #tpu.memory_space<semaphore_mem>>)
          %dma_wait3A_112 = arith.constant 0 : i32
          %dma_wait3A_113 = tpu.memref_slice %arg4[%arg0, %mul3A_105, %dma_wait3A_112] : memref<2x10000x128xf32, #tpu.memory_space<hbm>> -> memref<1x128x128xf32, #tpu.memory_space<hbm>>
          %dma_wait3A_114 = tpu.memref_squeeze %dma_wait3A_113 : memref<1x128x128xf32, #tpu.memory_space<hbm>> -> memref<128x128xf32, #tpu.memory_space<hbm>>
          %dma_wait3A_115 = arith.constant 0 : i32
          %dma_wait3A_116 = tpu.memref_slice %arg7[%mul3A_103, %dma_wait3A_115] : memref<10008x128xf32, #tpu.memory_space<vmem_shared>> -> memref<128x128xf32, #tpu.memory_space<vmem_shared>>
          tpu.wait_dma2 semaphore(%run_scoped3A_106 : memref<!tpu.dma_semaphore, #tpu.memory_space<semaphore_mem>>) src(%dma_wait3A_116 : memref<128x128xf32, #tpu.memory_space<vmem_shared>>) dst(%dma_wait3A_114 : memref<128x128xf32, #tpu.memory_space<hbm>>)
          tpu.yield
        }) : () -> ()
      } else {
      }
      %eq3A_96 = arith.constant 78 : i32
      %eq3A_97 = arith.cmpi eq, %add3A_93, %eq3A_96 : i32
      %convert_element_type3A_98 = arith.extui %eq3A_97 : i1 to i32
      %cond3A_99 = arith.constant 0 : i32
      %cond3A_100 = arith.cmpi ne, %convert_element_type3A_98, %cond3A_99 : i32
      scf.if %cond3A_100 {
        %mul3A_102 = arith.constant 128 : i32
        %mul3A_103 = arith.muli %add3A_93, %mul3A_102 : i32
        %mul3A_104 = arith.constant 128 : i32
        %mul3A_105 = arith.muli %add3A_93, %mul3A_104 : i32
        "tpu.region"() ({
          %run_scoped3A_106 = tpu.sem_alloc : memref<!tpu.dma_semaphore, #tpu.memory_space<semaphore_mem>>
          %dma_start3A_107 = arith.constant 0 : i32
          %dma_start3A_108 = tpu.memref_slice %arg4[%arg0, %mul3A_105, %dma_start3A_107] : memref<2x10000x128xf32, #tpu.memory_space<hbm>> -> memref<1x16x128xf32, #tpu.memory_space<hbm>>
          %dma_start3A_109 = tpu.memref_squeeze %dma_start3A_108 : memref<1x16x128xf32, #tpu.memory_space<hbm>> -> memref<16x128xf32, #tpu.memory_space<hbm>>
          %dma_start3A_110 = arith.constant 0 : i32
          %dma_start3A_111 = tpu.memref_slice %arg7[%mul3A_103, %dma_start3A_110] : memref<10008x128xf32, #tpu.memory_space<vmem_shared>> -> memref<16x128xf32, #tpu.memory_space<vmem_shared>>
          tpu.enqueue_dma source(%dma_start3A_111 : memref<16x128xf32, #tpu.memory_space<vmem_shared>>) target(%dma_start3A_109 : memref<16x128xf32, #tpu.memory_space<hbm>>) target_semaphore(%run_scoped3A_106 : memref<!tpu.dma_semaphore, #tpu.memory_space<semaphore_mem>>)
          %dma_wait3A_112 = arith.constant 0 : i32
          %dma_wait3A_113 = tpu.memref_slice %arg4[%arg0, %mul3A_105, %dma_wait3A_112] : memref<2x10000x128xf32, #tpu.memory_space<hbm>> -> memref<1x16x128xf32, #tpu.memory_space<hbm>>
          %dma_wait3A_114 = tpu.memref_squeeze %dma_wait3A_113 : memref<1x16x128xf32, #tpu.memory_space<hbm>> -> memref<16x128xf32, #tpu.memory_space<hbm>>
          %dma_wait3A_115 = arith.constant 0 : i32
          %dma_wait3A_116 = tpu.memref_slice %arg7[%mul3A_103, %dma_wait3A_115] : memref<10008x128xf32, #tpu.memory_space<vmem_shared>> -> memref<16x128xf32, #tpu.memory_space<vmem_shared>>
          tpu.wait_dma2 semaphore(%run_scoped3A_106 : memref<!tpu.dma_semaphore, #tpu.memory_space<semaphore_mem>>) src(%dma_wait3A_116 : memref<16x128xf32, #tpu.memory_space<vmem_shared>>) dst(%dma_wait3A_114 : memref<16x128xf32, #tpu.memory_space<hbm>>)
          tpu.yield
        }) : () -> ()
      } else {
      }
      %scan3A_101 = arith.constant 0 : i32
      scf.yield %scan3A_101 : i32
    }
    %scan3A_88 = arith.constant 5 : i32
    return
  }
}

#map = affine_map<(d0, d1) -> (0, 0)>
#map1 = affine_map<(d0, d1) -> (0, 0, 0)>
module attributes {stable_mosaic.version = 14 : i64} {
  func.func @_sc_agg_body(%arg0: i32, %arg1: i32, %arg2: memref<10000x128xf32, #tpu.memory_space<hbm>>, %arg3: memref<2512x2x128xi32, #tpu.memory_space<hbm>>, %arg4: memref<2x10000x128xf32, #tpu.memory_space<hbm>>, %arg5: memref<32x1x10000xf32, #tpu.memory_space<hbm>>, %arg6: memref<3x2x128xi32, #tpu.memory_space<vmem>>, %arg7: memref<2x128x128xf32, #tpu.memory_space<vmem>>, %arg8: memref<10008x128xf32, #tpu.memory_space<vmem_shared>>, %arg9: memref<10016xf32, #tpu.memory_space<vmem>>, %arg10: memref<!tpu.dma_semaphore, #tpu.memory_space<semaphore_mem>>, %arg11: memref<!tpu.dma_semaphore, #tpu.memory_space<semaphore_mem>>, %arg12: memref<!tpu.dma_semaphore, #tpu.memory_space<semaphore_mem>>) attributes {dimension_semantics = [#tpu.dimension_semantics<core_parallel>, #tpu.dimension_semantics<subcore_parallel>], iteration_bounds = array<i64: 2, 16>, scalar_prefetch = 0 : i64, scratch_operands = 7 : i64, tpu.core_type = #tpu.core_type<sc_vector_subcore>, window_params = [{transform_indices = #map}, {transform_indices = #map1}, {transform_indices = #map1}, {transform_indices = #map1}]} {
    %broadcast_in_dim3A = arith.constant 0.000000e+00 : f32
    %broadcast_in_dim3A_0 = vector.broadcast %broadcast_in_dim3A : f32 to vector<16xf32>
    %scan3A = arith.constant 0 : i32
    %scan3A_1 = arith.constant 0 : i32
    %scan3A_2 = arith.constant 0 : i32
    %scan3A_3 = arith.constant 128 : i32
    %scan3A_4 = arith.addi %scan3A_2, %scan3A_3 : i32
    %scan3A_5 = arith.constant 1 : i32
    %scan3A_6 = scf.for %scan3A_102 = %scan3A_2 to %scan3A_4 step %scan3A_5 iter_args(%scan3A_103 = %scan3A_1) -> (i32)  : i32 {
      %scan3A_104 = arith.constant 0 : i32
      %scan3A_105 = arith.constant 0 : i32
      %scan3A_106 = arith.constant 8 : i32
      %scan3A_107 = arith.addi %scan3A_105, %scan3A_106 : i32
      %scan3A_108 = arith.constant 1 : i32
      %scan3A_109 = scf.for %scan3A_112 = %scan3A_105 to %scan3A_107 step %scan3A_108 iter_args(%scan3A_113 = %scan3A_104) -> (i32)  : i32 {
        %mul3A_114 = arith.constant 16 : i32
        %mul3A_115 = arith.muli %scan3A_112, %mul3A_114 : i32
        %swap3A = arith.constant 0 : i32
        %swap3A_116 = arith.constant 0 : i32
        %swap3A_117 = tpu.memref_slice %arg7[%scan3A, %swap3A, %swap3A_116] : memref<2x128x128xf32, #tpu.memory_space<vmem>> -> memref<1x128x128xf32, #tpu.memory_space<vmem>>
        %swap3A_118 = tpu.memref_squeeze %swap3A_117 : memref<1x128x128xf32, #tpu.memory_space<vmem>> -> memref<128x128xf32, #tpu.memory_space<vmem>>
        %swap3A_119 = arith.constant 0 : i32
        %swap3A_120 = tpu.memref_slice %swap3A_118[%scan3A_102, %swap3A_119] : memref<128x128xf32, #tpu.memory_space<vmem>> -> memref<1x128xf32, #tpu.memory_space<vmem>>
        %swap3A_121 = tpu.memref_squeeze %swap3A_120 : memref<1x128xf32, #tpu.memory_space<vmem>> -> memref<128xf32, #tpu.memory_space<vmem>>
        %swap3A_122 = arith.index_cast %mul3A_115 : i32 to index
        %swap3A_123 = tpu.vector_load %swap3A_121[%swap3A_122] {strides = array<i32>} : memref<128xf32, #tpu.memory_space<vmem>>, vector<16xf32>,
        tpu.vector_store %swap3A_121[%swap3A_122], %broadcast_in_dim3A_0 {strides = array<i32>} : memref<128xf32, #tpu.memory_space<vmem>>, vector<16xf32>,
        %scan3A_124 = arith.constant 0 : i32
        scf.yield %scan3A_124 : i32
      }
      %scan3A_110 = arith.constant 8 : i32
      %scan3A_111 = arith.constant 0 : i32
      scf.yield %scan3A_111 : i32
    }
    %scan3A_7 = arith.constant 128 : i32
    %scan3A_8 = arith.constant 0 : i32
    %scan3A_9 = arith.constant 0 : i32
    %scan3A_10 = arith.constant 0 : i32
    %scan3A_11 = arith.constant 5 : i32
    %scan3A_12 = arith.addi %scan3A_10, %scan3A_11 : i32
    %scan3A_13 = arith.constant 1 : i32
    %scan3A_14 = scf.for %scan3A_102 = %scan3A_10 to %scan3A_12 step %scan3A_13 iter_args(%scan3A_103 = %scan3A_9) -> (i32)  : i32 {
      %mul3A_104 = arith.constant 16 : i32
      %mul3A_105 = arith.muli %scan3A_102, %mul3A_104 : i32
      %add3A_106 = arith.addi %mul3A_105, %arg1 : i32
      %lt3A = arith.constant 78 : i32
      %lt3A_107 = arith.cmpi slt, %add3A_106, %lt3A : i32
      %convert_element_type3A = arith.extui %lt3A_107 : i1 to i32
      %cond3A = arith.constant 0 : i32
      %cond3A_108 = arith.cmpi ne, %convert_element_type3A, %cond3A : i32
      scf.if %cond3A_108 {
        %mul3A_115 = arith.constant 128 : i32
        %mul3A_116 = arith.muli %add3A_106, %mul3A_115 : i32
        "tpu.region"() ({
          %run_scoped3A_117 = tpu.sem_alloc : memref<!tpu.dma_semaphore, #tpu.memory_space<semaphore_mem>>
          %dma_start3A_118 = arith.constant 0 : i32
          %dma_start3A_119 = arith.constant 0 : i32
          %dma_start3A_120 = tpu.memref_slice %arg7[%scan3A_8, %dma_start3A_118, %dma_start3A_119] : memref<2x128x128xf32, #tpu.memory_space<vmem>> -> memref<1x128x128xf32, #tpu.memory_space<vmem>>
          %dma_start3A_121 = tpu.memref_squeeze %dma_start3A_120 : memref<1x128x128xf32, #tpu.memory_space<vmem>> -> memref<128x128xf32, #tpu.memory_space<vmem>>
          %dma_start3A_122 = arith.constant 0 : i32
          %dma_start3A_123 = tpu.memref_slice %arg8[%mul3A_116, %dma_start3A_122] : memref<10008x128xf32, #tpu.memory_space<vmem_shared>> -> memref<128x128xf32, #tpu.memory_space<vmem_shared>>
          %dma_start3A_124 = arith.constant 0 : i32
          %dma_start3A_125 = tpu.memref_slice %arg8[%mul3A_116, %dma_start3A_124] : memref<10008x128xf32, #tpu.memory_space<vmem_shared>> -> memref<128x128xf32, #tpu.memory_space<vmem_shared>>
          %dma_start3A_126 = arith.constant 0 : i32
          %dma_start3A_127 = arith.constant 0 : i32
          %dma_start3A_128 = tpu.memref_slice %arg7[%scan3A_8, %dma_start3A_126, %dma_start3A_127] : memref<2x128x128xf32, #tpu.memory_space<vmem>> -> memref<1x128x128xf32, #tpu.memory_space<vmem>>
          %dma_start3A_129 = tpu.memref_squeeze %dma_start3A_128 : memref<1x128x128xf32, #tpu.memory_space<vmem>> -> memref<128x128xf32, #tpu.memory_space<vmem>>
          tpu.enqueue_dma source(%dma_start3A_129 : memref<128x128xf32, #tpu.memory_space<vmem>>) target(%dma_start3A_125 : memref<128x128xf32, #tpu.memory_space<vmem_shared>>) target_semaphore(%run_scoped3A_117 : memref<!tpu.dma_semaphore, #tpu.memory_space<semaphore_mem>>)
          %dma_wait3A_130 = arith.constant 0 : i32
          %dma_wait3A_131 = arith.constant 0 : i32
          %dma_wait3A_132 = tpu.memref_slice %arg7[%scan3A_8, %dma_wait3A_130, %dma_wait3A_131] : memref<2x128x128xf32, #tpu.memory_space<vmem>> -> memref<1x128x128xf32, #tpu.memory_space<vmem>>
          %dma_wait3A_133 = tpu.memref_squeeze %dma_wait3A_132 : memref<1x128x128xf32, #tpu.memory_space<vmem>> -> memref<128x128xf32, #tpu.memory_space<vmem>>
          %dma_wait3A_134 = arith.constant 0 : i32
          %dma_wait3A_135 = tpu.memref_slice %arg8[%mul3A_116, %dma_wait3A_134] : memref<10008x128xf32, #tpu.memory_space<vmem_shared>> -> memref<128x128xf32, #tpu.memory_space<vmem_shared>>
          %dma_wait3A_136 = arith.constant 0 : i32
          %dma_wait3A_137 = tpu.memref_slice %arg8[%mul3A_116, %dma_wait3A_136] : memref<10008x128xf32, #tpu.memory_space<vmem_shared>> -> memref<128x128xf32, #tpu.memory_space<vmem_shared>>
          %dma_wait3A_138 = arith.constant 0 : i32
          %dma_wait3A_139 = arith.constant 0 : i32
          %dma_wait3A_140 = tpu.memref_slice %arg7[%scan3A_8, %dma_wait3A_138, %dma_wait3A_139] : memref<2x128x128xf32, #tpu.memory_space<vmem>> -> memref<1x128x128xf32, #tpu.memory_space<vmem>>
          %dma_wait3A_141 = tpu.memref_squeeze %dma_wait3A_140 : memref<1x128x128xf32, #tpu.memory_space<vmem>> -> memref<128x128xf32, #tpu.memory_space<vmem>>
          tpu.wait_dma2 semaphore(%run_scoped3A_117 : memref<!tpu.dma_semaphore, #tpu.memory_space<semaphore_mem>>) src(%dma_wait3A_141 : memref<128x128xf32, #tpu.memory_space<vmem>>) dst(%dma_wait3A_137 : memref<128x128xf32, #tpu.memory_space<vmem_shared>>)
          tpu.yield
        }) : () -> ()
      } else {
      }
      %eq3A_109 = arith.constant 78 : i32
      %eq3A_110 = arith.cmpi eq, %add3A_106, %eq3A_109 : i32
      %convert_element_type3A_111 = arith.extui %eq3A_110 : i1 to i32
      %cond3A_112 = arith.constant 0 : i32
      %cond3A_113 = arith.cmpi ne, %convert_element_type3A_111, %cond3A_112 : i32
      scf.if %cond3A_113 {
        %mul3A_115 = arith.constant 128 : i32
        %mul3A_116 = arith.muli %add3A_106, %mul3A_115 : i32
        "tpu.region"() ({
          %run_scoped3A_117 = tpu.sem_alloc : memref<!tpu.dma_semaphore, #tpu.memory_space<semaphore_mem>>
          %dma_start3A_118 = arith.constant 0 : i32
          %dma_start3A_119 = arith.constant 0 : i32
          %dma_start3A_120 = tpu.memref_slice %arg7[%scan3A_8, %dma_start3A_118, %dma_start3A_119] : memref<2x128x128xf32, #tpu.memory_space<vmem>> -> memref<1x128x128xf32, #tpu.memory_space<vmem>>
          %dma_start3A_121 = tpu.memref_squeeze %dma_start3A_120 : memref<1x128x128xf32, #tpu.memory_space<vmem>> -> memref<128x128xf32, #tpu.memory_space<vmem>>
          %dma_start3A_122 = arith.constant 0 : i32
          %dma_start3A_123 = arith.constant 0 : i32
          %dma_start3A_124 = tpu.memref_slice %dma_start3A_121[%dma_start3A_122, %dma_start3A_123] : memref<128x128xf32, #tpu.memory_space<vmem>> -> memref<24x128xf32, #tpu.memory_space<vmem>>
          %dma_start3A_125 = arith.constant 0 : i32
          %dma_start3A_126 = tpu.memref_slice %arg8[%mul3A_116, %dma_start3A_125] : memref<10008x128xf32, #tpu.memory_space<vmem_shared>> -> memref<24x128xf32, #tpu.memory_space<vmem_shared>>
          %dma_start3A_127 = arith.constant 0 : i32
          %dma_start3A_128 = tpu.memref_slice %arg8[%mul3A_116, %dma_start3A_127] : memref<10008x128xf32, #tpu.memory_space<vmem_shared>> -> memref<24x128xf32, #tpu.memory_space<vmem_shared>>
          %dma_start3A_129 = arith.constant 0 : i32
          %dma_start3A_130 = arith.constant 0 : i32
          %dma_start3A_131 = tpu.memref_slice %arg7[%scan3A_8, %dma_start3A_129, %dma_start3A_130] : memref<2x128x128xf32, #tpu.memory_space<vmem>> -> memref<1x128x128xf32, #tpu.memory_space<vmem>>
          %dma_start3A_132 = tpu.memref_squeeze %dma_start3A_131 : memref<1x128x128xf32, #tpu.memory_space<vmem>> -> memref<128x128xf32, #tpu.memory_space<vmem>>
          %dma_start3A_133 = arith.constant 0 : i32
          %dma_start3A_134 = arith.constant 0 : i32
          %dma_start3A_135 = tpu.memref_slice %dma_start3A_132[%dma_start3A_133, %dma_start3A_134] : memref<128x128xf32, #tpu.memory_space<vmem>> -> memref<24x128xf32, #tpu.memory_space<vmem>>
          tpu.enqueue_dma source(%dma_start3A_135 : memref<24x128xf32, #tpu.memory_space<vmem>>) target(%dma_start3A_128 : memref<24x128xf32, #tpu.memory_space<vmem_shared>>) target_semaphore(%run_scoped3A_117 : memref<!tpu.dma_semaphore, #tpu.memory_space<semaphore_mem>>)
          %dma_wait3A_136 = arith.constant 0 : i32
          %dma_wait3A_137 = arith.constant 0 : i32
          %dma_wait3A_138 = tpu.memref_slice %arg7[%scan3A_8, %dma_wait3A_136, %dma_wait3A_137] : memref<2x128x128xf32, #tpu.memory_space<vmem>> -> memref<1x128x128xf32, #tpu.memory_space<vmem>>
          %dma_wait3A_139 = tpu.memref_squeeze %dma_wait3A_138 : memref<1x128x128xf32, #tpu.memory_space<vmem>> -> memref<128x128xf32, #tpu.memory_space<vmem>>
          %dma_wait3A_140 = arith.constant 0 : i32
          %dma_wait3A_141 = arith.constant 0 : i32
          %dma_wait3A_142 = tpu.memref_slice %dma_wait3A_139[%dma_wait3A_140, %dma_wait3A_141] : memref<128x128xf32, #tpu.memory_space<vmem>> -> memref<24x128xf32, #tpu.memory_space<vmem>>
          %dma_wait3A_143 = arith.constant 0 : i32
          %dma_wait3A_144 = tpu.memref_slice %arg8[%mul3A_116, %dma_wait3A_143] : memref<10008x128xf32, #tpu.memory_space<vmem_shared>> -> memref<24x128xf32, #tpu.memory_space<vmem_shared>>
          %dma_wait3A_145 = arith.constant 0 : i32
          %dma_wait3A_146 = tpu.memref_slice %arg8[%mul3A_116, %dma_wait3A_145] : memref<10008x128xf32, #tpu.memory_space<vmem_shared>> -> memref<24x128xf32, #tpu.memory_space<vmem_shared>>
          %dma_wait3A_147 = arith.constant 0 : i32
          %dma_wait3A_148 = arith.constant 0 : i32
          %dma_wait3A_149 = tpu.memref_slice %arg7[%scan3A_8, %dma_wait3A_147, %dma_wait3A_148] : memref<2x128x128xf32, #tpu.memory_space<vmem>> -> memref<1x128x128xf32, #tpu.memory_space<vmem>>
          %dma_wait3A_150 = tpu.memref_squeeze %dma_wait3A_149 : memref<1x128x128xf32, #tpu.memory_space<vmem>> -> memref<128x128xf32, #tpu.memory_space<vmem>>
          %dma_wait3A_151 = arith.constant 0 : i32
          %dma_wait3A_152 = arith.constant 0 : i32
          %dma_wait3A_153 = tpu.memref_slice %dma_wait3A_150[%dma_wait3A_151, %dma_wait3A_152] : memref<128x128xf32, #tpu.memory_space<vmem>> -> memref<24x128xf32, #tpu.memory_space<vmem>>
          tpu.wait_dma2 semaphore(%run_scoped3A_117 : memref<!tpu.dma_semaphore, #tpu.memory_space<semaphore_mem>>) src(%dma_wait3A_153 : memref<24x128xf32, #tpu.memory_space<vmem>>) dst(%dma_wait3A_146 : memref<24x128xf32, #tpu.memory_space<vmem_shared>>)
          tpu.yield
        }) : () -> ()
      } else {
      }
      %scan3A_114 = arith.constant 0 : i32
      scf.yield %scan3A_114 : i32
    }
    %scan3A_15 = arith.constant 5 : i32
    %broadcast_in_dim3A_16 = arith.constant 0.000000e+00 : f32
    %broadcast_in_dim3A_17 = vector.broadcast %broadcast_in_dim3A_16 : f32 to vector<16xf32>
    %scan3A_18 = arith.constant 0 : i32
    %scan3A_19 = arith.constant 0 : i32
    %scan3A_20 = arith.constant 626 : i32
    %scan3A_21 = arith.addi %scan3A_19, %scan3A_20 : i32
    %scan3A_22 = arith.constant 1 : i32
    %scan3A_23 = scf.for %scan3A_102 = %scan3A_19 to %scan3A_21 step %scan3A_22 iter_args(%scan3A_103 = %scan3A_18) -> (i32)  : i32 {
      %mul3A_104 = arith.constant 16 : i32
      %mul3A_105 = arith.muli %scan3A_102, %mul3A_104 : i32
      %swap3A = arith.index_cast %mul3A_105 : i32 to index
      %swap3A_106 = tpu.vector_load %arg9[%swap3A] {strides = array<i32>} : memref<10016xf32, #tpu.memory_space<vmem>>, vector<16xf32>,
      tpu.vector_store %arg9[%swap3A], %broadcast_in_dim3A_17 {strides = array<i32>} : memref<10016xf32, #tpu.memory_space<vmem>>, vector<16xf32>,
      %scan3A_107 = arith.constant 0 : i32
      scf.yield %scan3A_107 : i32
    }
    %scan3A_24 = arith.constant 626 : i32
    %broadcast_in_dim3A_25 = arith.constant 1.000000e+00 : f32
    %broadcast_in_dim3A_26 = vector.broadcast %broadcast_in_dim3A_25 : f32 to vector<16xf32>
    %barrier3A = arith.constant 0 : index
    tpu.barrier barrier_id(%barrier3A)
    %eq3A = arith.constant 0 : i32
    %eq3A_27 = arith.cmpi eq, %arg0, %eq3A : i32
    %mul3A = arith.constant 103 : i32
    %mul3A_28 = arith.muli %arg1, %mul3A : i32
    %mul3A_29 = arith.constant 54 : i32
    %mul3A_30 = arith.muli %arg1, %mul3A_29 : i32
    %add3A = arith.constant 1648 : i32
    %add3A_31 = arith.addi %add3A, %mul3A_30 : i32
    %select_n3A = arith.select %eq3A_27, %mul3A_28, %add3A_31 : i32
    %eq3A_32 = arith.constant 0 : i32
    %eq3A_33 = arith.cmpi eq, %arg0, %eq3A_32 : i32
    %jit3A = arith.constant 103 : i32
    %jit3A_34 = arith.constant 54 : i32
    %select_n3A_35 = arith.select %eq3A_33, %jit3A, %jit3A_34 : i32
    %run_scoped3A = arith.constant 0 : i32
    "tpu.region"() ({
      %run_scoped3A_102 = tpu.sem_alloc : memref<!tpu.dma_semaphore, #tpu.memory_space<semaphore_mem>>
      %dma_start3A_103 = arith.constant 0 : i32
      %dma_start3A_104 = arith.constant 0 : i32
      %dma_start3A_105 = tpu.memref_slice %arg6[%run_scoped3A, %dma_start3A_103, %dma_start3A_104] : memref<3x2x128xi32, #tpu.memory_space<vmem>> -> memref<1x2x128xi32, #tpu.memory_space<vmem>>
      %dma_start3A_106 = tpu.memref_squeeze %dma_start3A_105 : memref<1x2x128xi32, #tpu.memory_space<vmem>> -> memref<2x128xi32, #tpu.memory_space<vmem>>
      %dma_start3A_107 = arith.constant 0 : i32
      %dma_start3A_108 = arith.constant 0 : i32
      %dma_start3A_109 = tpu.memref_slice %arg3[%select_n3A, %dma_start3A_107, %dma_start3A_108] : memref<2512x2x128xi32, #tpu.memory_space<hbm>> -> memref<1x2x128xi32, #tpu.memory_space<hbm>>
      %dma_start3A_110 = tpu.memref_squeeze %dma_start3A_109 : memref<1x2x128xi32, #tpu.memory_space<hbm>> -> memref<2x128xi32, #tpu.memory_space<hbm>>
      %dma_start3A_111 = arith.constant 0 : i32
      %dma_start3A_112 = arith.constant 0 : i32
      %dma_start3A_113 = tpu.memref_slice %arg6[%run_scoped3A, %dma_start3A_111, %dma_start3A_112] : memref<3x2x128xi32, #tpu.memory_space<vmem>> -> memref<1x2x128xi32, #tpu.memory_space<vmem>>
      %dma_start3A_114 = tpu.memref_squeeze %dma_start3A_113 : memref<1x2x128xi32, #tpu.memory_space<vmem>> -> memref<2x128xi32, #tpu.memory_space<vmem>>
      %dma_start3A_115 = arith.constant 0 : i32
      %dma_start3A_116 = arith.constant 0 : i32
      %dma_start3A_117 = tpu.memref_slice %arg3[%select_n3A, %dma_start3A_115, %dma_start3A_116] : memref<2512x2x128xi32, #tpu.memory_space<hbm>> -> memref<1x2x128xi32, #tpu.memory_space<hbm>>
      %dma_start3A_118 = tpu.memref_squeeze %dma_start3A_117 : memref<1x2x128xi32, #tpu.memory_space<hbm>> -> memref<2x128xi32, #tpu.memory_space<hbm>>
      tpu.enqueue_dma source(%dma_start3A_118 : memref<2x128xi32, #tpu.memory_space<hbm>>) target(%dma_start3A_114 : memref<2x128xi32, #tpu.memory_space<vmem>>) target_semaphore(%run_scoped3A_102 : memref<!tpu.dma_semaphore, #tpu.memory_space<semaphore_mem>>)
      %dma_wait3A_119 = arith.constant 0 : i32
      %dma_wait3A_120 = arith.constant 0 : i32
      %dma_wait3A_121 = tpu.memref_slice %arg6[%run_scoped3A, %dma_wait3A_119, %dma_wait3A_120] : memref<3x2x128xi32, #tpu.memory_space<vmem>> -> memref<1x2x128xi32, #tpu.memory_space<vmem>>
      %dma_wait3A_122 = tpu.memref_squeeze %dma_wait3A_121 : memref<1x2x128xi32, #tpu.memory_space<vmem>> -> memref<2x128xi32, #tpu.memory_space<vmem>>
      %dma_wait3A_123 = arith.constant 0 : i32
      %dma_wait3A_124 = arith.constant 0 : i32
      %dma_wait3A_125 = tpu.memref_slice %arg3[%select_n3A, %dma_wait3A_123, %dma_wait3A_124] : memref<2512x2x128xi32, #tpu.memory_space<hbm>> -> memref<1x2x128xi32, #tpu.memory_space<hbm>>
      %dma_wait3A_126 = tpu.memref_squeeze %dma_wait3A_125 : memref<1x2x128xi32, #tpu.memory_space<hbm>> -> memref<2x128xi32, #tpu.memory_space<hbm>>
      %dma_wait3A_127 = arith.constant 0 : i32
      %dma_wait3A_128 = arith.constant 0 : i32
      %dma_wait3A_129 = tpu.memref_slice %arg6[%run_scoped3A, %dma_wait3A_127, %dma_wait3A_128] : memref<3x2x128xi32, #tpu.memory_space<vmem>> -> memref<1x2x128xi32, #tpu.memory_space<vmem>>
      %dma_wait3A_130 = tpu.memref_squeeze %dma_wait3A_129 : memref<1x2x128xi32, #tpu.memory_space<vmem>> -> memref<2x128xi32, #tpu.memory_space<vmem>>
      %dma_wait3A_131 = arith.constant 0 : i32
      %dma_wait3A_132 = arith.constant 0 : i32
      %dma_wait3A_133 = tpu.memref_slice %arg3[%select_n3A, %dma_wait3A_131, %dma_wait3A_132] : memref<2512x2x128xi32, #tpu.memory_space<hbm>> -> memref<1x2x128xi32, #tpu.memory_space<hbm>>
      %dma_wait3A_134 = tpu.memref_squeeze %dma_wait3A_133 : memref<1x2x128xi32, #tpu.memory_space<hbm>> -> memref<2x128xi32, #tpu.memory_space<hbm>>
      tpu.wait_dma2 semaphore(%run_scoped3A_102 : memref<!tpu.dma_semaphore, #tpu.memory_space<semaphore_mem>>) src(%dma_wait3A_134 : memref<2x128xi32, #tpu.memory_space<hbm>>) dst(%dma_wait3A_130 : memref<2x128xi32, #tpu.memory_space<vmem>>)
      tpu.yield
    }) : () -> ()
    %add3A_36 = arith.constant 1 : i32
    %add3A_37 = arith.addi %select_n3A, %add3A_36 : i32
    %dma_start3A = arith.constant 1 : i32
    %dma_start3A_38 = arith.constant 0 : i32
    %dma_start3A_39 = arith.constant 0 : i32
    %dma_start3A_40 = tpu.memref_slice %arg6[%dma_start3A, %dma_start3A_38, %dma_start3A_39] : memref<3x2x128xi32, #tpu.memory_space<vmem>> -> memref<1x2x128xi32, #tpu.memory_space<vmem>>
    %dma_start3A_41 = tpu.memref_squeeze %dma_start3A_40 : memref<1x2x128xi32, #tpu.memory_space<vmem>> -> memref<2x128xi32, #tpu.memory_space<vmem>>
    %dma_start3A_42 = arith.constant 0 : i32
    %dma_start3A_43 = arith.constant 0 : i32
    %dma_start3A_44 = tpu.memref_slice %arg3[%add3A_37, %dma_start3A_42, %dma_start3A_43] : memref<2512x2x128xi32, #tpu.memory_space<hbm>> -> memref<1x2x128xi32, #tpu.memory_space<hbm>>
    %dma_start3A_45 = tpu.memref_squeeze %dma_start3A_44 : memref<1x2x128xi32, #tpu.memory_space<hbm>> -> memref<2x128xi32, #tpu.memory_space<hbm>>
    %dma_start3A_46 = arith.constant 0 : i32
    %dma_start3A_47 = arith.constant 0 : i32
    %dma_start3A_48 = tpu.memref_slice %arg6[%dma_start3A, %dma_start3A_46, %dma_start3A_47] : memref<3x2x128xi32, #tpu.memory_space<vmem>> -> memref<1x2x128xi32, #tpu.memory_space<vmem>>
    %dma_start3A_49 = tpu.memref_squeeze %dma_start3A_48 : memref<1x2x128xi32, #tpu.memory_space<vmem>> -> memref<2x128xi32, #tpu.memory_space<vmem>>
    %dma_start3A_50 = arith.constant 0 : i32
    %dma_start3A_51 = arith.constant 0 : i32
    %dma_start3A_52 = tpu.memref_slice %arg3[%add3A_37, %dma_start3A_50, %dma_start3A_51] : memref<2512x2x128xi32, #tpu.memory_space<hbm>> -> memref<1x2x128xi32, #tpu.memory_space<hbm>>
    %dma_start3A_53 = tpu.memref_squeeze %dma_start3A_52 : memref<1x2x128xi32, #tpu.memory_space<hbm>> -> memref<2x128xi32, #tpu.memory_space<hbm>>
    tpu.enqueue_dma source(%dma_start3A_53 : memref<2x128xi32, #tpu.memory_space<hbm>>) target(%dma_start3A_49 : memref<2x128xi32, #tpu.memory_space<vmem>>) target_semaphore(%arg11 : memref<!tpu.dma_semaphore, #tpu.memory_space<semaphore_mem>>)
    %dma_start3A_54 = arith.constant 0 : i32
    %dma_start3A_55 = arith.constant 0 : i32
    %dma_start3A_56 = arith.constant 0 : i32
    %dma_start3A_57 = arith.constant 0 : i32
    %dma_start3A_58 = arith.constant 0 : i32
    %dma_start3A_59 = tpu.memref_slice %arg7[%dma_start3A_56, %dma_start3A_57, %dma_start3A_58] : memref<2x128x128xf32, #tpu.memory_space<vmem>> -> memref<1x128x128xf32, #tpu.memory_space<vmem>>
    %dma_start3A_60 = tpu.memref_squeeze %dma_start3A_59 : memref<1x128x128xf32, #tpu.memory_space<vmem>> -> memref<128x128xf32, #tpu.memory_space<vmem>>
    %dma_start3A_61 = arith.constant 0 : i32
    %dma_start3A_62 = tpu.memref_slice %arg6[%dma_start3A_54, %dma_start3A_55, %dma_start3A_61] : memref<3x2x128xi32, #tpu.memory_space<vmem>> -> memref<1x1x128xi32, #tpu.memory_space<vmem>>
    %dma_start3A_63 = tpu.memref_squeeze %dma_start3A_62 : memref<1x1x128xi32, #tpu.memory_space<vmem>> -> memref<128xi32, #tpu.memory_space<vmem>>
    %dma_start3A_64 = arith.constant 0 : i32
    %dma_start3A_65 = arith.constant 0 : i32
    %dma_start3A_66 = tpu.memref_slice %arg2[%dma_start3A_64, %dma_start3A_65] : memref<10000x128xf32, #tpu.memory_space<hbm>> -> memref<10000x128xf32, #tpu.memory_space<hbm>>
    tpu.enqueue_indirect_dma source(%dma_start3A_66 : memref<10000x128xf32, #tpu.memory_space<hbm>>) target(%dma_start3A_60 : memref<128x128xf32, #tpu.memory_space<vmem>>) offsets(%dma_start3A_63 : memref<128xi32, #tpu.memory_space<vmem>>) semaphore(%arg10 : memref<!tpu.dma_semaphore, #tpu.memory_space<semaphore_mem>>)
    %scan3A_67 = arith.constant 0 : i32
    %scan3A_68 = arith.constant 0 : i32
    %scan3A_69 = arith.constant 103 : i32
    %scan3A_70 = arith.addi %scan3A_68, %scan3A_69 : i32
    %scan3A_71 = arith.constant 1 : i32
    %scan3A_72 = scf.for %scan3A_102 = %scan3A_68 to %scan3A_70 step %scan3A_71 iter_args(%scan3A_103 = %scan3A_67) -> (i32)  : i32 {
      %rem3A_104 = arith.constant 2 : i32
      %rem3A_105 = arith.remsi %scan3A_102, %rem3A_104 : i32
      %add3A_106 = arith.constant 1 : i32
      %add3A_107 = arith.addi %scan3A_102, %add3A_106 : i32
      %rem3A_108 = arith.constant 2 : i32
      %rem3A_109 = arith.remsi %add3A_107, %rem3A_108 : i32
      %rem3A_110 = arith.constant 3 : i32
      %rem3A_111 = arith.remsi %scan3A_102, %rem3A_110 : i32
      %add3A_112 = arith.constant 1 : i32
      %add3A_113 = arith.addi %scan3A_102, %add3A_112 : i32
      %rem3A_114 = arith.constant 3 : i32
      %rem3A_115 = arith.remsi %add3A_113, %rem3A_114 : i32
      %add3A_116 = arith.constant 2 : i32
      %add3A_117 = arith.addi %scan3A_102, %add3A_116 : i32
      %rem3A_118 = arith.constant 3 : i32
      %rem3A_119 = arith.remsi %add3A_117, %rem3A_118 : i32
      %lt3A = arith.cmpi slt, %scan3A_102, %select_n3A_35 : i32
      %convert_element_type3A = arith.extui %lt3A : i1 to i32
      %cond3A = arith.constant 0 : i32
      %cond3A_120 = arith.cmpi ne, %convert_element_type3A, %cond3A : i32
      scf.if %cond3A_120 {
        %add3A_122 = arith.constant 1 : i32
        %add3A_123 = arith.addi %scan3A_102, %add3A_122 : i32
        %lt3A_124 = arith.cmpi slt, %add3A_123, %select_n3A_35 : i32
        %convert_element_type3A_125 = arith.extui %lt3A_124 : i1 to i32
        %cond3A_126 = arith.constant 0 : i32
        %cond3A_127 = arith.cmpi ne, %convert_element_type3A_125, %cond3A_126 : i32
        scf.if %cond3A_127 {
          %add3A_213 = arith.addi %select_n3A, %scan3A_102 : i32
          %add3A_214 = arith.constant 1 : i32
          %add3A_215 = arith.addi %add3A_213, %add3A_214 : i32
          %dma_wait3A_216 = arith.constant 0 : i32
          %dma_wait3A_217 = arith.constant 0 : i32
          %dma_wait3A_218 = tpu.memref_slice %arg6[%rem3A_115, %dma_wait3A_216, %dma_wait3A_217] : memref<3x2x128xi32, #tpu.memory_space<vmem>> -> memref<1x2x128xi32, #tpu.memory_space<vmem>>
          %dma_wait3A_219 = tpu.memref_squeeze %dma_wait3A_218 : memref<1x2x128xi32, #tpu.memory_space<vmem>> -> memref<2x128xi32, #tpu.memory_space<vmem>>
          %dma_wait3A_220 = arith.constant 0 : i32
          %dma_wait3A_221 = arith.constant 0 : i32
          %dma_wait3A_222 = tpu.memref_slice %arg3[%add3A_215, %dma_wait3A_220, %dma_wait3A_221] : memref<2512x2x128xi32, #tpu.memory_space<hbm>> -> memref<1x2x128xi32, #tpu.memory_space<hbm>>
          %dma_wait3A_223 = tpu.memref_squeeze %dma_wait3A_222 : memref<1x2x128xi32, #tpu.memory_space<hbm>> -> memref<2x128xi32, #tpu.memory_space<hbm>>
          %dma_wait3A_224 = arith.constant 0 : i32
          %dma_wait3A_225 = arith.constant 0 : i32
          %dma_wait3A_226 = tpu.memref_slice %arg6[%rem3A_115, %dma_wait3A_224, %dma_wait3A_225] : memref<3x2x128xi32, #tpu.memory_space<vmem>> -> memref<1x2x128xi32, #tpu.memory_space<vmem>>
          %dma_wait3A_227 = tpu.memref_squeeze %dma_wait3A_226 : memref<1x2x128xi32, #tpu.memory_space<vmem>> -> memref<2x128xi32, #tpu.memory_space<vmem>>
          %dma_wait3A_228 = arith.constant 0 : i32
          %dma_wait3A_229 = arith.constant 0 : i32
          %dma_wait3A_230 = tpu.memref_slice %arg3[%add3A_215, %dma_wait3A_228, %dma_wait3A_229] : memref<2512x2x128xi32, #tpu.memory_space<hbm>> -> memref<1x2x128xi32, #tpu.memory_space<hbm>>
          %dma_wait3A_231 = tpu.memref_squeeze %dma_wait3A_230 : memref<1x2x128xi32, #tpu.memory_space<hbm>> -> memref<2x128xi32, #tpu.memory_space<hbm>>
          tpu.wait_dma2 semaphore(%arg11 : memref<!tpu.dma_semaphore, #tpu.memory_space<semaphore_mem>>) src(%dma_wait3A_231 : memref<2x128xi32, #tpu.memory_space<hbm>>) dst(%dma_wait3A_227 : memref<2x128xi32, #tpu.memory_space<vmem>>)
        } else {
        }
        %dma_wait3A_128 = arith.constant 0 : i32
        %dma_wait3A_129 = arith.constant 0 : i32
        %dma_wait3A_130 = arith.constant 0 : i32
        %dma_wait3A_131 = tpu.memref_slice %arg7[%rem3A_105, %dma_wait3A_129, %dma_wait3A_130] : memref<2x128x128xf32, #tpu.memory_space<vmem>> -> memref<1x128x128xf32, #tpu.memory_space<vmem>>
        %dma_wait3A_132 = tpu.memref_squeeze %dma_wait3A_131 : memref<1x128x128xf32, #tpu.memory_space<vmem>> -> memref<128x128xf32, #tpu.memory_space<vmem>>
        %dma_wait3A_133 = arith.constant 0 : i32
        %dma_wait3A_134 = tpu.memref_slice %arg6[%rem3A_111, %dma_wait3A_128, %dma_wait3A_133] : memref<3x2x128xi32, #tpu.memory_space<vmem>> -> memref<1x1x128xi32, #tpu.memory_space<vmem>>
        %dma_wait3A_135 = tpu.memref_squeeze %dma_wait3A_134 : memref<1x1x128xi32, #tpu.memory_space<vmem>> -> memref<128xi32, #tpu.memory_space<vmem>>
        %dma_wait3A_136 = arith.constant 0 : i32
        %dma_wait3A_137 = arith.constant 0 : i32
        %dma_wait3A_138 = tpu.memref_slice %arg2[%dma_wait3A_136, %dma_wait3A_137] : memref<10000x128xf32, #tpu.memory_space<hbm>> -> memref<10000x128xf32, #tpu.memory_space<hbm>>
        tpu.wait_indirect_dma semaphore(%arg10 : memref<!tpu.dma_semaphore, #tpu.memory_space<semaphore_mem>>) src(%dma_wait3A_138 : memref<10000x128xf32, #tpu.memory_space<hbm>>) dst(%dma_wait3A_132 : memref<128x128xf32, #tpu.memory_space<vmem>>)
        %gt3A = arith.constant 0 : i32
        %gt3A_139 = arith.cmpi sgt, %scan3A_102, %gt3A : i32
        %convert_element_type3A_140 = arith.extui %gt3A_139 : i1 to i32
        %cond3A_141 = arith.constant 0 : i32
        %cond3A_142 = arith.cmpi ne, %convert_element_type3A_140, %cond3A_141 : i32
        scf.if %cond3A_142 {
          %dma_wait3A_213 = arith.constant 1 : i32
          %dma_wait3A_214 = arith.constant 0 : i32
          %dma_wait3A_215 = arith.constant 0 : i32
          %dma_wait3A_216 = tpu.memref_slice %arg7[%rem3A_109, %dma_wait3A_214, %dma_wait3A_215] : memref<2x128x128xf32, #tpu.memory_space<vmem>> -> memref<1x128x128xf32, #tpu.memory_space<vmem>>
          %dma_wait3A_217 = tpu.memref_squeeze %dma_wait3A_216 : memref<1x128x128xf32, #tpu.memory_space<vmem>> -> memref<128x128xf32, #tpu.memory_space<vmem>>
          %dma_wait3A_218 = arith.constant 0 : i32
          %dma_wait3A_219 = tpu.memref_slice %arg6[%rem3A_119, %dma_wait3A_213, %dma_wait3A_218] : memref<3x2x128xi32, #tpu.memory_space<vmem>> -> memref<1x1x128xi32, #tpu.memory_space<vmem>>
          %dma_wait3A_220 = tpu.memref_squeeze %dma_wait3A_219 : memref<1x1x128xi32, #tpu.memory_space<vmem>> -> memref<128xi32, #tpu.memory_space<vmem>>
          %dma_wait3A_221 = arith.constant 0 : i32
          %dma_wait3A_222 = arith.constant 0 : i32
          %dma_wait3A_223 = tpu.memref_slice %arg8[%dma_wait3A_221, %dma_wait3A_222] : memref<10008x128xf32, #tpu.memory_space<vmem_shared>> -> memref<10008x128xf32, #tpu.memory_space<vmem_shared>>
          tpu.wait_indirect_dma semaphore(%arg12 : memref<!tpu.dma_semaphore, #tpu.memory_space<semaphore_mem>>) src(%dma_wait3A_217 : memref<128x128xf32, #tpu.memory_space<vmem>>) dst(%dma_wait3A_223 : memref<10008x128xf32, #tpu.memory_space<vmem_shared>>)
        } else {
        }
        %add3A_143 = arith.constant 1 : i32
        %add3A_144 = arith.addi %scan3A_102, %add3A_143 : i32
        %lt3A_145 = arith.cmpi slt, %add3A_144, %select_n3A_35 : i32
        %convert_element_type3A_146 = arith.extui %lt3A_145 : i1 to i32
        %cond3A_147 = arith.constant 0 : i32
        %cond3A_148 = arith.cmpi ne, %convert_element_type3A_146, %cond3A_147 : i32
        scf.if %cond3A_148 {
          %dma_start3A_213 = arith.constant 0 : i32
          %dma_start3A_214 = arith.constant 0 : i32
          %dma_start3A_215 = arith.constant 0 : i32
          %dma_start3A_216 = tpu.memref_slice %arg7[%rem3A_109, %dma_start3A_214, %dma_start3A_215] : memref<2x128x128xf32, #tpu.memory_space<vmem>> -> memref<1x128x128xf32, #tpu.memory_space<vmem>>
          %dma_start3A_217 = tpu.memref_squeeze %dma_start3A_216 : memref<1x128x128xf32, #tpu.memory_space<vmem>> -> memref<128x128xf32, #tpu.memory_space<vmem>>
          %dma_start3A_218 = arith.constant 0 : i32
          %dma_start3A_219 = tpu.memref_slice %arg6[%rem3A_115, %dma_start3A_213, %dma_start3A_218] : memref<3x2x128xi32, #tpu.memory_space<vmem>> -> memref<1x1x128xi32, #tpu.memory_space<vmem>>
          %dma_start3A_220 = tpu.memref_squeeze %dma_start3A_219 : memref<1x1x128xi32, #tpu.memory_space<vmem>> -> memref<128xi32, #tpu.memory_space<vmem>>
          %dma_start3A_221 = arith.constant 0 : i32
          %dma_start3A_222 = arith.constant 0 : i32
          %dma_start3A_223 = tpu.memref_slice %arg2[%dma_start3A_221, %dma_start3A_222] : memref<10000x128xf32, #tpu.memory_space<hbm>> -> memref<10000x128xf32, #tpu.memory_space<hbm>>
          tpu.enqueue_indirect_dma source(%dma_start3A_223 : memref<10000x128xf32, #tpu.memory_space<hbm>>) target(%dma_start3A_217 : memref<128x128xf32, #tpu.memory_space<vmem>>) offsets(%dma_start3A_220 : memref<128xi32, #tpu.memory_space<vmem>>) semaphore(%arg10 : memref<!tpu.dma_semaphore, #tpu.memory_space<semaphore_mem>>)
        } else {
        }
        %dma_start3A_149 = arith.constant 1 : i32
        %dma_start3A_150 = arith.constant 0 : i32
        %dma_start3A_151 = arith.constant 0 : i32
        %dma_start3A_152 = tpu.memref_slice %arg7[%rem3A_105, %dma_start3A_150, %dma_start3A_151] : memref<2x128x128xf32, #tpu.memory_space<vmem>> -> memref<1x128x128xf32, #tpu.memory_space<vmem>>
        %dma_start3A_153 = tpu.memref_squeeze %dma_start3A_152 : memref<1x128x128xf32, #tpu.memory_space<vmem>> -> memref<128x128xf32, #tpu.memory_space<vmem>>
        %dma_start3A_154 = arith.constant 0 : i32
        %dma_start3A_155 = tpu.memref_slice %arg6[%rem3A_111, %dma_start3A_149, %dma_start3A_154] : memref<3x2x128xi32, #tpu.memory_space<vmem>> -> memref<1x1x128xi32, #tpu.memory_space<vmem>>
        %dma_start3A_156 = tpu.memref_squeeze %dma_start3A_155 : memref<1x1x128xi32, #tpu.memory_space<vmem>> -> memref<128xi32, #tpu.memory_space<vmem>>
        %dma_start3A_157 = arith.constant 0 : i32
        %dma_start3A_158 = arith.constant 0 : i32
        %dma_start3A_159 = tpu.memref_slice %arg8[%dma_start3A_157, %dma_start3A_158] : memref<10008x128xf32, #tpu.memory_space<vmem_shared>> -> memref<10008x128xf32, #tpu.memory_space<vmem_shared>>
        tpu.enqueue_indirect_dma source(%dma_start3A_153 : memref<128x128xf32, #tpu.memory_space<vmem>>) target(%dma_start3A_159 : memref<10008x128xf32, #tpu.memory_space<vmem_shared>>) offsets(%dma_start3A_156 : memref<128xi32, #tpu.memory_space<vmem>>) semaphore(%arg12 : memref<!tpu.dma_semaphore, #tpu.memory_space<semaphore_mem>>) {add = true}
        %add3A_160 = arith.constant 2 : i32
        %add3A_161 = arith.addi %scan3A_102, %add3A_160 : i32
        %lt3A_162 = arith.cmpi slt, %add3A_161, %select_n3A_35 : i32
        %convert_element_type3A_163 = arith.extui %lt3A_162 : i1 to i32
        %cond3A_164 = arith.constant 0 : i32
        %cond3A_165 = arith.cmpi ne, %convert_element_type3A_163, %cond3A_164 : i32
        scf.if %cond3A_165 {
          %add3A_213 = arith.addi %select_n3A, %scan3A_102 : i32
          %add3A_214 = arith.constant 2 : i32
          %add3A_215 = arith.addi %add3A_213, %add3A_214 : i32
          %dma_start3A_216 = arith.constant 0 : i32
          %dma_start3A_217 = arith.constant 0 : i32
          %dma_start3A_218 = tpu.memref_slice %arg6[%rem3A_119, %dma_start3A_216, %dma_start3A_217] : memref<3x2x128xi32, #tpu.memory_space<vmem>> -> memref<1x2x128xi32, #tpu.memory_space<vmem>>
          %dma_start3A_219 = tpu.memref_squeeze %dma_start3A_218 : memref<1x2x128xi32, #tpu.memory_space<vmem>> -> memref<2x128xi32, #tpu.memory_space<vmem>>
          %dma_start3A_220 = arith.constant 0 : i32
          %dma_start3A_221 = arith.constant 0 : i32
          %dma_start3A_222 = tpu.memref_slice %arg3[%add3A_215, %dma_start3A_220, %dma_start3A_221] : memref<2512x2x128xi32, #tpu.memory_space<hbm>> -> memref<1x2x128xi32, #tpu.memory_space<hbm>>
          %dma_start3A_223 = tpu.memref_squeeze %dma_start3A_222 : memref<1x2x128xi32, #tpu.memory_space<hbm>> -> memref<2x128xi32, #tpu.memory_space<hbm>>
          %dma_start3A_224 = arith.constant 0 : i32
          %dma_start3A_225 = arith.constant 0 : i32
          %dma_start3A_226 = tpu.memref_slice %arg6[%rem3A_119, %dma_start3A_224, %dma_start3A_225] : memref<3x2x128xi32, #tpu.memory_space<vmem>> -> memref<1x2x128xi32, #tpu.memory_space<vmem>>
          %dma_start3A_227 = tpu.memref_squeeze %dma_start3A_226 : memref<1x2x128xi32, #tpu.memory_space<vmem>> -> memref<2x128xi32, #tpu.memory_space<vmem>>
          %dma_start3A_228 = arith.constant 0 : i32
          %dma_start3A_229 = arith.constant 0 : i32
          %dma_start3A_230 = tpu.memref_slice %arg3[%add3A_215, %dma_start3A_228, %dma_start3A_229] : memref<2512x2x128xi32, #tpu.memory_space<hbm>> -> memref<1x2x128xi32, #tpu.memory_space<hbm>>
          %dma_start3A_231 = tpu.memref_squeeze %dma_start3A_230 : memref<1x2x128xi32, #tpu.memory_space<hbm>> -> memref<2x128xi32, #tpu.memory_space<hbm>>
          tpu.enqueue_dma source(%dma_start3A_231 : memref<2x128xi32, #tpu.memory_space<hbm>>) target(%dma_start3A_227 : memref<2x128xi32, #tpu.memory_space<vmem>>) target_semaphore(%arg11 : memref<!tpu.dma_semaphore, #tpu.memory_space<semaphore_mem>>)
        } else {
        }
        %get3A = arith.constant 1 : i32
        %get3A_166 = arith.constant 0 : i32
        %get3A_167 = tpu.memref_slice %arg6[%rem3A_111, %get3A, %get3A_166] : memref<3x2x128xi32, #tpu.memory_space<vmem>> -> memref<1x1x128xi32, #tpu.memory_space<vmem>>
        %get3A_168 = tpu.memref_squeeze %get3A_167 : memref<1x1x128xi32, #tpu.memory_space<vmem>> -> memref<128xi32, #tpu.memory_space<vmem>>
        %get3A_169 = arith.constant 0 : index
        %get3A_170 = tpu.vector_load %get3A_168[%get3A_169] {strides = array<i32>} : memref<128xi32, #tpu.memory_space<vmem>>, vector<16xi32>,
        tpu.vector_store_idx %arg9[%get3A_170], %broadcast_in_dim3A_26 {add = true} : memref<10016xf32, #tpu.memory_space<vmem>>[vector<16xi32>], vector<16xf32>,
        %get3A_171 = arith.constant 1 : i32
        %get3A_172 = arith.constant 0 : i32
        %get3A_173 = tpu.memref_slice %arg6[%rem3A_111, %get3A_171, %get3A_172] : memref<3x2x128xi32, #tpu.memory_space<vmem>> -> memref<1x1x128xi32, #tpu.memory_space<vmem>>
        %get3A_174 = tpu.memref_squeeze %get3A_173 : memref<1x1x128xi32, #tpu.memory_space<vmem>> -> memref<128xi32, #tpu.memory_space<vmem>>
        %get3A_175 = arith.constant 16 : index
        %get3A_176 = tpu.vector_load %get3A_174[%get3A_175] {strides = array<i32>} : memref<128xi32, #tpu.memory_space<vmem>>, vector<16xi32>,
        tpu.vector_store_idx %arg9[%get3A_176], %broadcast_in_dim3A_26 {add = true} : memref<10016xf32, #tpu.memory_space<vmem>>[vector<16xi32>], vector<16xf32>,
        %get3A_177 = arith.constant 1 : i32
        %get3A_178 = arith.constant 0 : i32
        %get3A_179 = tpu.memref_slice %arg6[%rem3A_111, %get3A_177, %get3A_178] : memref<3x2x128xi32, #tpu.memory_space<vmem>> -> memref<1x1x128xi32, #tpu.memory_space<vmem>>
        %get3A_180 = tpu.memref_squeeze %get3A_179 : memref<1x1x128xi32, #tpu.memory_space<vmem>> -> memref<128xi32, #tpu.memory_space<vmem>>
        %get3A_181 = arith.constant 32 : index
        %get3A_182 = tpu.vector_load %get3A_180[%get3A_181] {strides = array<i32>} : memref<128xi32, #tpu.memory_space<vmem>>, vector<16xi32>,
        tpu.vector_store_idx %arg9[%get3A_182], %broadcast_in_dim3A_26 {add = true} : memref<10016xf32, #tpu.memory_space<vmem>>[vector<16xi32>], vector<16xf32>,
        %get3A_183 = arith.constant 1 : i32
        %get3A_184 = arith.constant 0 : i32
        %get3A_185 = tpu.memref_slice %arg6[%rem3A_111, %get3A_183, %get3A_184] : memref<3x2x128xi32, #tpu.memory_space<vmem>> -> memref<1x1x128xi32, #tpu.memory_space<vmem>>
        %get3A_186 = tpu.memref_squeeze %get3A_185 : memref<1x1x128xi32, #tpu.memory_space<vmem>> -> memref<128xi32, #tpu.memory_space<vmem>>
        %get3A_187 = arith.constant 48 : index
        %get3A_188 = tpu.vector_load %get3A_186[%get3A_187] {strides = array<i32>} : memref<128xi32, #tpu.memory_space<vmem>>, vector<16xi32>,
        tpu.vector_store_idx %arg9[%get3A_188], %broadcast_in_dim3A_26 {add = true} : memref<10016xf32, #tpu.memory_space<vmem>>[vector<16xi32>], vector<16xf32>,
        %get3A_189 = arith.constant 1 : i32
        %get3A_190 = arith.constant 0 : i32
        %get3A_191 = tpu.memref_slice %arg6[%rem3A_111, %get3A_189, %get3A_190] : memref<3x2x128xi32, #tpu.memory_space<vmem>> -> memref<1x1x128xi32, #tpu.memory_space<vmem>>
        %get3A_192 = tpu.memref_squeeze %get3A_191 : memref<1x1x128xi32, #tpu.memory_space<vmem>> -> memref<128xi32, #tpu.memory_space<vmem>>
        %get3A_193 = arith.constant 64 : index
        %get3A_194 = tpu.vector_load %get3A_192[%get3A_193] {strides = array<i32>} : memref<128xi32, #tpu.memory_space<vmem>>, vector<16xi32>,
        tpu.vector_store_idx %arg9[%get3A_194], %broadcast_in_dim3A_26 {add = true} : memref<10016xf32, #tpu.memory_space<vmem>>[vector<16xi32>], vector<16xf32>,
        %get3A_195 = arith.constant 1 : i32
        %get3A_196 = arith.constant 0 : i32
        %get3A_197 = tpu.memref_slice %arg6[%rem3A_111, %get3A_195, %get3A_196] : memref<3x2x128xi32, #tpu.memory_space<vmem>> -> memref<1x1x128xi32, #tpu.memory_space<vmem>>
        %get3A_198 = tpu.memref_squeeze %get3A_197 : memref<1x1x128xi32, #tpu.memory_space<vmem>> -> memref<128xi32, #tpu.memory_space<vmem>>
        %get3A_199 = arith.constant 80 : index
        %get3A_200 = tpu.vector_load %get3A_198[%get3A_199] {strides = array<i32>} : memref<128xi32, #tpu.memory_space<vmem>>, vector<16xi32>,
        tpu.vector_store_idx %arg9[%get3A_200], %broadcast_in_dim3A_26 {add = true} : memref<10016xf32, #tpu.memory_space<vmem>>[vector<16xi32>], vector<16xf32>,
        %get3A_201 = arith.constant 1 : i32
        %get3A_202 = arith.constant 0 : i32
        %get3A_203 = tpu.memref_slice %arg6[%rem3A_111, %get3A_201, %get3A_202] : memref<3x2x128xi32, #tpu.memory_space<vmem>> -> memref<1x1x128xi32, #tpu.memory_space<vmem>>
        %get3A_204 = tpu.memref_squeeze %get3A_203 : memref<1x1x128xi32, #tpu.memory_space<vmem>> -> memref<128xi32, #tpu.memory_space<vmem>>
        %get3A_205 = arith.constant 96 : index
        %get3A_206 = tpu.vector_load %get3A_204[%get3A_205] {strides = array<i32>} : memref<128xi32, #tpu.memory_space<vmem>>, vector<16xi32>,
        tpu.vector_store_idx %arg9[%get3A_206], %broadcast_in_dim3A_26 {add = true} : memref<10016xf32, #tpu.memory_space<vmem>>[vector<16xi32>], vector<16xf32>,
        %get3A_207 = arith.constant 1 : i32
        %get3A_208 = arith.constant 0 : i32
        %get3A_209 = tpu.memref_slice %arg6[%rem3A_111, %get3A_207, %get3A_208] : memref<3x2x128xi32, #tpu.memory_space<vmem>> -> memref<1x1x128xi32, #tpu.memory_space<vmem>>
        %get3A_210 = tpu.memref_squeeze %get3A_209 : memref<1x1x128xi32, #tpu.memory_space<vmem>> -> memref<128xi32, #tpu.memory_space<vmem>>
        %get3A_211 = arith.constant 112 : index
        %get3A_212 = tpu.vector_load %get3A_210[%get3A_211] {strides = array<i32>} : memref<128xi32, #tpu.memory_space<vmem>>, vector<16xi32>,
        tpu.vector_store_idx %arg9[%get3A_212], %broadcast_in_dim3A_26 {add = true} : memref<10016xf32, #tpu.memory_space<vmem>>[vector<16xi32>], vector<16xf32>,
      } else {
      }
      %scan3A_121 = arith.constant 0 : i32
      scf.yield %scan3A_121 : i32
    }
    %scan3A_73 = arith.constant 103 : i32
    %sub3A = arith.constant 1 : i32
    %sub3A_74 = arith.subi %select_n3A_35, %sub3A : i32
    %rem3A = arith.constant 2 : i32
    %rem3A_75 = arith.remsi %sub3A_74, %rem3A : i32
    %sub3A_76 = arith.constant 1 : i32
    %sub3A_77 = arith.subi %select_n3A_35, %sub3A_76 : i32
    %rem3A_78 = arith.constant 3 : i32
    %rem3A_79 = arith.remsi %sub3A_77, %rem3A_78 : i32
    %dma_wait3A = arith.constant 1 : i32
    %dma_wait3A_80 = arith.constant 0 : i32
    %dma_wait3A_81 = arith.constant 0 : i32
    %dma_wait3A_82 = tpu.memref_slice %arg7[%rem3A_75, %dma_wait3A_80, %dma_wait3A_81] : memref<2x128x128xf32, #tpu.memory_space<vmem>> -> memref<1x128x128xf32, #tpu.memory_space<vmem>>
    %dma_wait3A_83 = tpu.memref_squeeze %dma_wait3A_82 : memref<1x128x128xf32, #tpu.memory_space<vmem>> -> memref<128x128xf32, #tpu.memory_space<vmem>>
    %dma_wait3A_84 = arith.constant 0 : i32
    %dma_wait3A_85 = tpu.memref_slice %arg6[%rem3A_79, %dma_wait3A, %dma_wait3A_84] : memref<3x2x128xi32, #tpu.memory_space<vmem>> -> memref<1x1x128xi32, #tpu.memory_space<vmem>>
    %dma_wait3A_86 = tpu.memref_squeeze %dma_wait3A_85 : memref<1x1x128xi32, #tpu.memory_space<vmem>> -> memref<128xi32, #tpu.memory_space<vmem>>
    %dma_wait3A_87 = arith.constant 0 : i32
    %dma_wait3A_88 = arith.constant 0 : i32
    %dma_wait3A_89 = tpu.memref_slice %arg8[%dma_wait3A_87, %dma_wait3A_88] : memref<10008x128xf32, #tpu.memory_space<vmem_shared>> -> memref<10008x128xf32, #tpu.memory_space<vmem_shared>>
    tpu.wait_indirect_dma semaphore(%arg12 : memref<!tpu.dma_semaphore, #tpu.memory_space<semaphore_mem>>) src(%dma_wait3A_83 : memref<128x128xf32, #tpu.memory_space<vmem>>) dst(%dma_wait3A_89 : memref<10008x128xf32, #tpu.memory_space<vmem_shared>>)
    %mul3A_90 = arith.constant 2 : i32
    %mul3A_91 = arith.muli %arg1, %mul3A_90 : i32
    %add3A_92 = arith.addi %mul3A_91, %arg0 : i32
    %run_scoped3A_93 = arith.constant 0 : i32
    "tpu.region"() ({
      %run_scoped3A_102 = tpu.sem_alloc : memref<!tpu.dma_semaphore, #tpu.memory_space<semaphore_mem>>
      %dma_start3A_103 = arith.constant 0 : i32
      %dma_start3A_104 = tpu.memref_slice %arg9[%dma_start3A_103] : memref<10016xf32, #tpu.memory_space<vmem>> -> memref<10000xf32, #tpu.memory_space<vmem>>
      %dma_start3A_105 = arith.constant 0 : i32
      %dma_start3A_106 = tpu.memref_slice %arg5[%add3A_92, %run_scoped3A_93, %dma_start3A_105] : memref<32x1x10000xf32, #tpu.memory_space<hbm>> -> memref<1x1x10000xf32, #tpu.memory_space<hbm>>
      %dma_start3A_107 = tpu.memref_squeeze %dma_start3A_106 : memref<1x1x10000xf32, #tpu.memory_space<hbm>> -> memref<10000xf32, #tpu.memory_space<hbm>>
      %dma_start3A_108 = arith.constant 0 : i32
      %dma_start3A_109 = tpu.memref_slice %arg5[%add3A_92, %run_scoped3A_93, %dma_start3A_108] : memref<32x1x10000xf32, #tpu.memory_space<hbm>> -> memref<1x1x10000xf32, #tpu.memory_space<hbm>>
      %dma_start3A_110 = tpu.memref_squeeze %dma_start3A_109 : memref<1x1x10000xf32, #tpu.memory_space<hbm>> -> memref<10000xf32, #tpu.memory_space<hbm>>
      %dma_start3A_111 = arith.constant 0 : i32
      %dma_start3A_112 = tpu.memref_slice %arg9[%dma_start3A_111] : memref<10016xf32, #tpu.memory_space<vmem>> -> memref<10000xf32, #tpu.memory_space<vmem>>
      tpu.enqueue_dma source(%dma_start3A_112 : memref<10000xf32, #tpu.memory_space<vmem>>) target(%dma_start3A_110 : memref<10000xf32, #tpu.memory_space<hbm>>) target_semaphore(%run_scoped3A_102 : memref<!tpu.dma_semaphore, #tpu.memory_space<semaphore_mem>>)
      %dma_wait3A_113 = arith.constant 0 : i32
      %dma_wait3A_114 = tpu.memref_slice %arg9[%dma_wait3A_113] : memref<10016xf32, #tpu.memory_space<vmem>> -> memref<10000xf32, #tpu.memory_space<vmem>>
      %dma_wait3A_115 = arith.constant 0 : i32
      %dma_wait3A_116 = tpu.memref_slice %arg5[%add3A_92, %run_scoped3A_93, %dma_wait3A_115] : memref<32x1x10000xf32, #tpu.memory_space<hbm>> -> memref<1x1x10000xf32, #tpu.memory_space<hbm>>
      %dma_wait3A_117 = tpu.memref_squeeze %dma_wait3A_116 : memref<1x1x10000xf32, #tpu.memory_space<hbm>> -> memref<10000xf32, #tpu.memory_space<hbm>>
      %dma_wait3A_118 = arith.constant 0 : i32
      %dma_wait3A_119 = tpu.memref_slice %arg5[%add3A_92, %run_scoped3A_93, %dma_wait3A_118] : memref<32x1x10000xf32, #tpu.memory_space<hbm>> -> memref<1x1x10000xf32, #tpu.memory_space<hbm>>
      %dma_wait3A_120 = tpu.memref_squeeze %dma_wait3A_119 : memref<1x1x10000xf32, #tpu.memory_space<hbm>> -> memref<10000xf32, #tpu.memory_space<hbm>>
      %dma_wait3A_121 = arith.constant 0 : i32
      %dma_wait3A_122 = tpu.memref_slice %arg9[%dma_wait3A_121] : memref<10016xf32, #tpu.memory_space<vmem>> -> memref<10000xf32, #tpu.memory_space<vmem>>
      tpu.wait_dma2 semaphore(%run_scoped3A_102 : memref<!tpu.dma_semaphore, #tpu.memory_space<semaphore_mem>>) src(%dma_wait3A_122 : memref<10000xf32, #tpu.memory_space<vmem>>) dst(%dma_wait3A_120 : memref<10000xf32, #tpu.memory_space<hbm>>)
      tpu.yield
    }) : () -> ()
    %barrier3A_94 = arith.constant 0 : index
    tpu.barrier barrier_id(%barrier3A_94)
    %scan3A_95 = arith.constant 0 : i32
    %scan3A_96 = arith.constant 0 : i32
    %scan3A_97 = arith.constant 5 : i32
    %scan3A_98 = arith.addi %scan3A_96, %scan3A_97 : i32
    %scan3A_99 = arith.constant 1 : i32
    %scan3A_100 = scf.for %scan3A_102 = %scan3A_96 to %scan3A_98 step %scan3A_99 iter_args(%scan3A_103 = %scan3A_95) -> (i32)  : i32 {
      %mul3A_104 = arith.constant 16 : i32
      %mul3A_105 = arith.muli %scan3A_102, %mul3A_104 : i32
      %add3A_106 = arith.addi %mul3A_105, %arg1 : i32
      %lt3A = arith.constant 78 : i32
      %lt3A_107 = arith.cmpi slt, %add3A_106, %lt3A : i32
      %convert_element_type3A = arith.extui %lt3A_107 : i1 to i32
      %cond3A = arith.constant 0 : i32
      %cond3A_108 = arith.cmpi ne, %convert_element_type3A, %cond3A : i32
      scf.if %cond3A_108 {
        %mul3A_115 = arith.constant 128 : i32
        %mul3A_116 = arith.muli %add3A_106, %mul3A_115 : i32
        %mul3A_117 = arith.constant 128 : i32
        %mul3A_118 = arith.muli %add3A_106, %mul3A_117 : i32
        "tpu.region"() ({
          %run_scoped3A_119 = tpu.sem_alloc : memref<!tpu.dma_semaphore, #tpu.memory_space<semaphore_mem>>
          %dma_start3A_120 = arith.constant 0 : i32
          %dma_start3A_121 = tpu.memref_slice %arg4[%arg0, %mul3A_118, %dma_start3A_120] : memref<2x10000x128xf32, #tpu.memory_space<hbm>> -> memref<1x128x128xf32, #tpu.memory_space<hbm>>
          %dma_start3A_122 = tpu.memref_squeeze %dma_start3A_121 : memref<1x128x128xf32, #tpu.memory_space<hbm>> -> memref<128x128xf32, #tpu.memory_space<hbm>>
          %dma_start3A_123 = arith.constant 0 : i32
          %dma_start3A_124 = tpu.memref_slice %arg8[%mul3A_116, %dma_start3A_123] : memref<10008x128xf32, #tpu.memory_space<vmem_shared>> -> memref<128x128xf32, #tpu.memory_space<vmem_shared>>
          tpu.enqueue_dma source(%dma_start3A_124 : memref<128x128xf32, #tpu.memory_space<vmem_shared>>) target(%dma_start3A_122 : memref<128x128xf32, #tpu.memory_space<hbm>>) target_semaphore(%run_scoped3A_119 : memref<!tpu.dma_semaphore, #tpu.memory_space<semaphore_mem>>)
          %dma_wait3A_125 = arith.constant 0 : i32
          %dma_wait3A_126 = tpu.memref_slice %arg4[%arg0, %mul3A_118, %dma_wait3A_125] : memref<2x10000x128xf32, #tpu.memory_space<hbm>> -> memref<1x128x128xf32, #tpu.memory_space<hbm>>
          %dma_wait3A_127 = tpu.memref_squeeze %dma_wait3A_126 : memref<1x128x128xf32, #tpu.memory_space<hbm>> -> memref<128x128xf32, #tpu.memory_space<hbm>>
          %dma_wait3A_128 = arith.constant 0 : i32
          %dma_wait3A_129 = tpu.memref_slice %arg8[%mul3A_116, %dma_wait3A_128] : memref<10008x128xf32, #tpu.memory_space<vmem_shared>> -> memref<128x128xf32, #tpu.memory_space<vmem_shared>>
          tpu.wait_dma2 semaphore(%run_scoped3A_119 : memref<!tpu.dma_semaphore, #tpu.memory_space<semaphore_mem>>) src(%dma_wait3A_129 : memref<128x128xf32, #tpu.memory_space<vmem_shared>>) dst(%dma_wait3A_127 : memref<128x128xf32, #tpu.memory_space<hbm>>)
          tpu.yield
        }) : () -> ()
      } else {
      }
      %eq3A_109 = arith.constant 78 : i32
      %eq3A_110 = arith.cmpi eq, %add3A_106, %eq3A_109 : i32
      %convert_element_type3A_111 = arith.extui %eq3A_110 : i1 to i32
      %cond3A_112 = arith.constant 0 : i32
      %cond3A_113 = arith.cmpi ne, %convert_element_type3A_111, %cond3A_112 : i32
      scf.if %cond3A_113 {
        %mul3A_115 = arith.constant 128 : i32
        %mul3A_116 = arith.muli %add3A_106, %mul3A_115 : i32
        %mul3A_117 = arith.constant 128 : i32
        %mul3A_118 = arith.muli %add3A_106, %mul3A_117 : i32
        "tpu.region"() ({
          %run_scoped3A_119 = tpu.sem_alloc : memref<!tpu.dma_semaphore, #tpu.memory_space<semaphore_mem>>
          %dma_start3A_120 = arith.constant 0 : i32
          %dma_start3A_121 = tpu.memref_slice %arg4[%arg0, %mul3A_118, %dma_start3A_120] : memref<2x10000x128xf32, #tpu.memory_space<hbm>> -> memref<1x16x128xf32, #tpu.memory_space<hbm>>
          %dma_start3A_122 = tpu.memref_squeeze %dma_start3A_121 : memref<1x16x128xf32, #tpu.memory_space<hbm>> -> memref<16x128xf32, #tpu.memory_space<hbm>>
          %dma_start3A_123 = arith.constant 0 : i32
          %dma_start3A_124 = tpu.memref_slice %arg8[%mul3A_116, %dma_start3A_123] : memref<10008x128xf32, #tpu.memory_space<vmem_shared>> -> memref<16x128xf32, #tpu.memory_space<vmem_shared>>
          tpu.enqueue_dma source(%dma_start3A_124 : memref<16x128xf32, #tpu.memory_space<vmem_shared>>) target(%dma_start3A_122 : memref<16x128xf32, #tpu.memory_space<hbm>>) target_semaphore(%run_scoped3A_119 : memref<!tpu.dma_semaphore, #tpu.memory_space<semaphore_mem>>)
          %dma_wait3A_125 = arith.constant 0 : i32
          %dma_wait3A_126 = tpu.memref_slice %arg4[%arg0, %mul3A_118, %dma_wait3A_125] : memref<2x10000x128xf32, #tpu.memory_space<hbm>> -> memref<1x16x128xf32, #tpu.memory_space<hbm>>
          %dma_wait3A_127 = tpu.memref_squeeze %dma_wait3A_126 : memref<1x16x128xf32, #tpu.memory_space<hbm>> -> memref<16x128xf32, #tpu.memory_space<hbm>>
          %dma_wait3A_128 = arith.constant 0 : i32
          %dma_wait3A_129 = tpu.memref_slice %arg8[%mul3A_116, %dma_wait3A_128] : memref<10008x128xf32, #tpu.memory_space<vmem_shared>> -> memref<16x128xf32, #tpu.memory_space<vmem_shared>>
          tpu.wait_dma2 semaphore(%run_scoped3A_119 : memref<!tpu.dma_semaphore, #tpu.memory_space<semaphore_mem>>) src(%dma_wait3A_129 : memref<16x128xf32, #tpu.memory_space<vmem_shared>>) dst(%dma_wait3A_127 : memref<16x128xf32, #tpu.memory_space<hbm>>)
          tpu.yield
        }) : () -> ()
      } else {
      }
      %scan3A_114 = arith.constant 0 : i32
      scf.yield %scan3A_114 : i32
    }
    %scan3A_101 = arith.constant 5 : i32
    return
  }
}

module attributes {stable_mosaic.version = 14 : i64} {
  func.func @_tc_layer_body(%arg0: i32, %arg1: memref<2x400x128xf32, #tpu.memory_space<vmem>>, %arg2: memref<400x32xf32, #tpu.memory_space<vmem>>, %arg3: memref<400x128xf32, #tpu.memory_space<vmem>>, %arg4: memref<128x128xf32, #tpu.memory_space<vmem>>, %arg5: memref<1x128xf32, #tpu.memory_space<vmem>>, %arg6: memref<128x128xf32, #tpu.memory_space<vmem>>, %arg7: memref<400x128xf32, #tpu.memory_space<vmem>>) attributes {dimension_semantics = [#tpu.dimension_semantics<arbitrary>], iteration_bounds = array<i64: 25>, scalar_prefetch = 0 : i64, scratch_operands = 0 : i64, tpu.core_type = #tpu.core_type<tc>, window_params = [{transform_indices = @transform_0, window_bounds = array<i64: 2, 400, 128>}, {transform_indices = @transform_1, window_bounds = array<i64: 400, 32>}, {transform_indices = @transform_2, window_bounds = array<i64: 400, 128>}, {pipeline_mode = #tpu.pipeline_mode<synchronous>, transform_indices = @transform_3, window_bounds = array<i64: 128, 128>}, {pipeline_mode = #tpu.pipeline_mode<synchronous>, transform_indices = @transform_4, window_bounds = array<i64: 1, 128>}, {pipeline_mode = #tpu.pipeline_mode<synchronous>, transform_indices = @transform_5, window_bounds = array<i64: 128, 128>}, {transform_indices = @transform_6, window_bounds = array<i64: 400, 128>}]} {
    %get3A = arith.constant 0 : index
    %get3A_0 = arith.constant 0 : index
    %get3A_1 = vector.load %arg2[%get3A, %get3A_0] : memref<400x32xf32, #tpu.memory_space<vmem>>, vector<400x32xf32>
    %reduce_sum3A = arith.constant dense<0.000000e+00> : vector<400xf32>
    %reduce_sum3A_2 = vector.multi_reduction <add>, %get3A_1, %reduce_sum3A [1] : vector<400x32xf32> to vector<400xf32>
    %max3A = arith.constant 1.000000e+00 : f32
    %max3A_3 = vector.broadcast %max3A : f32 to vector<400xf32>
    %max3A_4 = arith.maximumf %reduce_sum3A_2, %max3A_3 : vector<400xf32>
    %get3A_5 = arith.constant 0 : index
    %get3A_6 = arith.constant 0 : index
    %get3A_7 = arith.constant 0 : index
    %get3A_8 = vector.load %arg1[%get3A_5, %get3A_6, %get3A_7] : memref<2x400x128xf32, #tpu.memory_space<vmem>>, vector<1x400x128xf32>
    %get3A_9 = vector.shape_cast %get3A_8 : vector<1x400x128xf32> to vector<400x128xf32>
    %get3A_10 = arith.constant 1 : index
    %get3A_11 = arith.constant 0 : index
    %get3A_12 = arith.constant 0 : index
    %get3A_13 = vector.load %arg1[%get3A_10, %get3A_11, %get3A_12] : memref<2x400x128xf32, #tpu.memory_space<vmem>>, vector<1x400x128xf32>
    %get3A_14 = vector.shape_cast %get3A_13 : vector<1x400x128xf32> to vector<400x128xf32>
    %add3A = arith.addf %get3A_9, %get3A_14 : vector<400x128xf32>
    %broadcast_in_dim3A = vector.shape_cast %max3A_4 : vector<400xf32> to vector<400x1xf32>
    %div3A = vector.broadcast %broadcast_in_dim3A : vector<400x1xf32> to vector<400x128xf32>
    %div3A_15 = arith.divf %add3A, %div3A : vector<400x128xf32>
    %get3A_16 = arith.constant 0 : index
    %get3A_17 = arith.constant 0 : index
    %get3A_18 = vector.load %arg4[%get3A_16, %get3A_17] : memref<128x128xf32, #tpu.memory_space<vmem>>, vector<128x128xf32>
    %dot_general3A = arith.constant dense<0.000000e+00> : vector<400x128xf32>
    %dot_general3A_19 = tpu.matmul %div3A_15, %get3A_18, %dot_general3A {dimension_numbers = #tpu.dot_dimension_numbers<[1], [0], [0], [1], [0, 0, 1, 1], [], []>, transpose_lhs_hint = false} : vector<400x128xf32>, vector<128x128xf32>, vector<400x128xf32> -> vector<400x128xf32>
    %get3A_20 = arith.constant 0 : index
    %get3A_21 = arith.constant 0 : index
    %get3A_22 = vector.load %arg5[%get3A_20, %get3A_21] : memref<1x128xf32, #tpu.memory_space<vmem>>, vector<1x128xf32>
    %add3A_23 = vector.broadcast %get3A_22 : vector<1x128xf32> to vector<400x128xf32>
    %add3A_24 = arith.addf %dot_general3A_19, %add3A_23 : vector<400x128xf32>
    %get3A_25 = arith.constant 0 : index
    %get3A_26 = arith.constant 0 : index
    %get3A_27 = vector.load %arg3[%get3A_25, %get3A_26] : memref<400x128xf32, #tpu.memory_space<vmem>>, vector<400x128xf32>
    %get3A_28 = arith.constant 0 : index
    %get3A_29 = arith.constant 0 : index
    %get3A_30 = vector.load %arg6[%get3A_28, %get3A_29] : memref<128x128xf32, #tpu.memory_space<vmem>>, vector<128x128xf32>
    %dot_general3A_31 = arith.constant dense<0.000000e+00> : vector<400x128xf32>
    %dot_general3A_32 = tpu.matmul %get3A_27, %get3A_30, %dot_general3A_31 {dimension_numbers = #tpu.dot_dimension_numbers<[1], [0], [0], [1], [0, 0, 1, 1], [], []>, transpose_lhs_hint = false} : vector<400x128xf32>, vector<128x128xf32>, vector<400x128xf32> -> vector<400x128xf32>
    %add3A_33 = arith.addf %add3A_24, %dot_general3A_32 : vector<400x128xf32>
    %max3A_34 = arith.constant 0.000000e+00 : f32
    %max3A_35 = vector.broadcast %max3A_34 : f32 to vector<400x128xf32>
    %max3A_36 = arith.maximumf %add3A_33, %max3A_35 : vector<400x128xf32>
    %swap3A = arith.constant 0 : index
    %swap3A_37 = arith.constant 0 : index
    %swap3A_38 = vector.load %arg7[%swap3A, %swap3A_37] : memref<400x128xf32, #tpu.memory_space<vmem>>, vector<400x128xf32>
    tpu.vector_store %arg7[%swap3A, %swap3A_37], %max3A_36 {strides = array<i32>} : memref<400x128xf32, #tpu.memory_space<vmem>>, vector<400x128xf32>,
    return
  }
  func.func @transform_0(%arg0: i32) -> (i32, i32, i32) {
    %c0_i32 = arith.constant 0 : i32
    %c0_i32_0 = arith.constant 0 : i32
    %c0_i32_1 = arith.constant 0 : i32
    return %c0_i32, %arg0, %c0_i32_0 : i32, i32, i32
  }
  func.func @transform_1(%arg0: i32) -> (i32, i32) {
    %c0_i32 = arith.constant 0 : i32
    %c0_i32_0 = arith.constant 0 : i32
    return %arg0, %c0_i32 : i32, i32
  }
  func.func @transform_2(%arg0: i32) -> (i32, i32) {
    %c0_i32 = arith.constant 0 : i32
    %c0_i32_0 = arith.constant 0 : i32
    return %arg0, %c0_i32 : i32, i32
  }
  func.func @transform_3(%arg0: i32) -> (i32, i32) {
    %c0_i32 = arith.constant 0 : i32
    %c0_i32_0 = arith.constant 0 : i32
    %c0_i32_1 = arith.constant 0 : i32
    return %c0_i32, %c0_i32_0 : i32, i32
  }
  func.func @transform_4(%arg0: i32) -> (i32, i32) {
    %c0_i32 = arith.constant 0 : i32
    %c0_i32_0 = arith.constant 0 : i32
    %c0_i32_1 = arith.constant 0 : i32
    return %c0_i32, %c0_i32_0 : i32, i32
  }
  func.func @transform_5(%arg0: i32) -> (i32, i32) {
    %c0_i32 = arith.constant 0 : i32
    %c0_i32_0 = arith.constant 0 : i32
    %c0_i32_1 = arith.constant 0 : i32
    return %c0_i32, %c0_i32_0 : i32, i32
  }
  func.func @transform_6(%arg0: i32) -> (i32, i32) {
    %c0_i32 = arith.constant 0 : i32
    %c0_i32_0 = arith.constant 0 : i32
    return %arg0, %c0_i32 : i32, i32
  }
}

module attributes {stable_mosaic.version = 14 : i64} {
  func.func @_tc_layer_body(%arg0: i32, %arg1: memref<2x400x128xf32, #tpu.memory_space<vmem>>, %arg2: memref<400x32xf32, #tpu.memory_space<vmem>>, %arg3: memref<400x128xf32, #tpu.memory_space<vmem>>, %arg4: memref<128x128xf32, #tpu.memory_space<vmem>>, %arg5: memref<1x128xf32, #tpu.memory_space<vmem>>, %arg6: memref<128x128xf32, #tpu.memory_space<vmem>>, %arg7: memref<400x128xf32, #tpu.memory_space<vmem>>) attributes {dimension_semantics = [#tpu.dimension_semantics<arbitrary>], iteration_bounds = array<i64: 25>, scalar_prefetch = 0 : i64, scratch_operands = 0 : i64, tpu.core_type = #tpu.core_type<tc>, window_params = [{transform_indices = @transform_0, window_bounds = array<i64: 2, 400, 128>}, {transform_indices = @transform_1, window_bounds = array<i64: 400, 32>}, {transform_indices = @transform_2, window_bounds = array<i64: 400, 128>}, {pipeline_mode = #tpu.pipeline_mode<synchronous>, transform_indices = @transform_3, window_bounds = array<i64: 128, 128>}, {pipeline_mode = #tpu.pipeline_mode<synchronous>, transform_indices = @transform_4, window_bounds = array<i64: 1, 128>}, {pipeline_mode = #tpu.pipeline_mode<synchronous>, transform_indices = @transform_5, window_bounds = array<i64: 128, 128>}, {transform_indices = @transform_6, window_bounds = array<i64: 400, 128>}]} {
    %get3A = arith.constant 0 : index
    %get3A_0 = arith.constant 0 : index
    %get3A_1 = vector.load %arg2[%get3A, %get3A_0] : memref<400x32xf32, #tpu.memory_space<vmem>>, vector<400x32xf32>
    %reduce_sum3A = arith.constant dense<0.000000e+00> : vector<400xf32>
    %reduce_sum3A_2 = vector.multi_reduction <add>, %get3A_1, %reduce_sum3A [1] : vector<400x32xf32> to vector<400xf32>
    %max3A = arith.constant 1.000000e+00 : f32
    %max3A_3 = vector.broadcast %max3A : f32 to vector<400xf32>
    %max3A_4 = arith.maximumf %reduce_sum3A_2, %max3A_3 : vector<400xf32>
    %get3A_5 = arith.constant 0 : index
    %get3A_6 = arith.constant 0 : index
    %get3A_7 = arith.constant 0 : index
    %get3A_8 = vector.load %arg1[%get3A_5, %get3A_6, %get3A_7] : memref<2x400x128xf32, #tpu.memory_space<vmem>>, vector<1x400x128xf32>
    %get3A_9 = vector.shape_cast %get3A_8 : vector<1x400x128xf32> to vector<400x128xf32>
    %get3A_10 = arith.constant 1 : index
    %get3A_11 = arith.constant 0 : index
    %get3A_12 = arith.constant 0 : index
    %get3A_13 = vector.load %arg1[%get3A_10, %get3A_11, %get3A_12] : memref<2x400x128xf32, #tpu.memory_space<vmem>>, vector<1x400x128xf32>
    %get3A_14 = vector.shape_cast %get3A_13 : vector<1x400x128xf32> to vector<400x128xf32>
    %add3A = arith.addf %get3A_9, %get3A_14 : vector<400x128xf32>
    %broadcast_in_dim3A = vector.shape_cast %max3A_4 : vector<400xf32> to vector<400x1xf32>
    %div3A = vector.broadcast %broadcast_in_dim3A : vector<400x1xf32> to vector<400x128xf32>
    %div3A_15 = arith.divf %add3A, %div3A : vector<400x128xf32>
    %get3A_16 = arith.constant 0 : index
    %get3A_17 = arith.constant 0 : index
    %get3A_18 = vector.load %arg4[%get3A_16, %get3A_17] : memref<128x128xf32, #tpu.memory_space<vmem>>, vector<128x128xf32>
    %dot_general3A = arith.constant dense<0.000000e+00> : vector<400x128xf32>
    %dot_general3A_19 = tpu.matmul %div3A_15, %get3A_18, %dot_general3A {dimension_numbers = #tpu.dot_dimension_numbers<[1], [0], [0], [1], [0, 0, 1, 1], [], []>, transpose_lhs_hint = false} : vector<400x128xf32>, vector<128x128xf32>, vector<400x128xf32> -> vector<400x128xf32>
    %get3A_20 = arith.constant 0 : index
    %get3A_21 = arith.constant 0 : index
    %get3A_22 = vector.load %arg5[%get3A_20, %get3A_21] : memref<1x128xf32, #tpu.memory_space<vmem>>, vector<1x128xf32>
    %add3A_23 = vector.broadcast %get3A_22 : vector<1x128xf32> to vector<400x128xf32>
    %add3A_24 = arith.addf %dot_general3A_19, %add3A_23 : vector<400x128xf32>
    %get3A_25 = arith.constant 0 : index
    %get3A_26 = arith.constant 0 : index
    %get3A_27 = vector.load %arg3[%get3A_25, %get3A_26] : memref<400x128xf32, #tpu.memory_space<vmem>>, vector<400x128xf32>
    %get3A_28 = arith.constant 0 : index
    %get3A_29 = arith.constant 0 : index
    %get3A_30 = vector.load %arg6[%get3A_28, %get3A_29] : memref<128x128xf32, #tpu.memory_space<vmem>>, vector<128x128xf32>
    %dot_general3A_31 = arith.constant dense<0.000000e+00> : vector<400x128xf32>
    %dot_general3A_32 = tpu.matmul %get3A_27, %get3A_30, %dot_general3A_31 {dimension_numbers = #tpu.dot_dimension_numbers<[1], [0], [0], [1], [0, 0, 1, 1], [], []>, transpose_lhs_hint = false} : vector<400x128xf32>, vector<128x128xf32>, vector<400x128xf32> -> vector<400x128xf32>
    %add3A_33 = arith.addf %add3A_24, %dot_general3A_32 : vector<400x128xf32>
    %swap3A = arith.constant 0 : index
    %swap3A_34 = arith.constant 0 : index
    %swap3A_35 = vector.load %arg7[%swap3A, %swap3A_34] : memref<400x128xf32, #tpu.memory_space<vmem>>, vector<400x128xf32>
    tpu.vector_store %arg7[%swap3A, %swap3A_34], %add3A_33 {strides = array<i32>} : memref<400x128xf32, #tpu.memory_space<vmem>>, vector<400x128xf32>,
    return
  }
  func.func @transform_0(%arg0: i32) -> (i32, i32, i32) {
    %c0_i32 = arith.constant 0 : i32
    %c0_i32_0 = arith.constant 0 : i32
    %c0_i32_1 = arith.constant 0 : i32
    return %c0_i32, %arg0, %c0_i32_0 : i32, i32, i32
  }
  func.func @transform_1(%arg0: i32) -> (i32, i32) {
    %c0_i32 = arith.constant 0 : i32
    %c0_i32_0 = arith.constant 0 : i32
    return %arg0, %c0_i32 : i32, i32
  }
  func.func @transform_2(%arg0: i32) -> (i32, i32) {
    %c0_i32 = arith.constant 0 : i32
    %c0_i32_0 = arith.constant 0 : i32
    return %arg0, %c0_i32 : i32, i32
  }
  func.func @transform_3(%arg0: i32) -> (i32, i32) {
    %c0_i32 = arith.constant 0 : i32
    %c0_i32_0 = arith.constant 0 : i32
    %c0_i32_1 = arith.constant 0 : i32
    return %c0_i32, %c0_i32_0 : i32, i32
  }
  func.func @transform_4(%arg0: i32) -> (i32, i32) {
    %c0_i32 = arith.constant 0 : i32
    %c0_i32_0 = arith.constant 0 : i32
    %c0_i32_1 = arith.constant 0 : i32
    return %c0_i32, %c0_i32_0 : i32, i32
  }
  func.func @transform_5(%arg0: i32) -> (i32, i32) {
    %c0_i32 = arith.constant 0 : i32
    %c0_i32_0 = arith.constant 0 : i32
    %c0_i32_1 = arith.constant 0 : i32
    return %c0_i32, %c0_i32_0 : i32, i32
  }
  func.func @transform_6(%arg0: i32) -> (i32, i32) {
    %c0_i32 = arith.constant 0 : i32
    %c0_i32_0 = arith.constant 0 : i32
    return %arg0, %c0_i32 : i32, i32
  }
}

</mosaic_0001>

<sc_bundles>
// kernel: kernel.6.cloned.1.call-start
scs
__scs_entry_jumppad:
0x0: {  	(pc) =	sbr.rel $0x88, $3  }
0x1: {  	(tag) =	ssettag $0x0;
	lr =	simm.s32 $0x1  }
0x2: {  	[smem:$0x3F99] =	sst lr;
	_ =	strace $0xD0000000  }
0x3: {  	_ = 	snop  }
0x4: {  	_ = 	snop  }
0x5: {  	_ = 	snop  }
0x6: {  	_ = 	snop  }
0x7: {  	_ = 	snop  }
__scs_overlays_trampoline_lowered:
0x8: {  	[smem:$0x3FA8] =	sst s0  }
0x9: {  	[smem:$0x3FA9] =	sst s1  }
0xa: {  	[smem:$0x3FAA] =	sst s2  }
0xb: {  	[smem:$0x3FAB] =	sst s3  }
0xc: {  	[smem:$0x3FAC] =	sst s4  }
0xd: {  	[smem:$0x3FAD] =	sst s5  }
0xe: {  	[smem:$0x3FAE] =	sst s6  }
0xf: {  	[smem:$0x3FAF] =	sst s7  }
0x10: {  	[smem:$0x3FB0] =	sst s8  }
0x11: {  	[smem:$0x3FB1] =	sst s9;
	s0 =	simm.s32 @!p0 $0x0  }
0x12: {  	s1 =	sld [smem:$0x3F97];
	s0 =	simm.s32 @p0 $0x1  }
0x13: {  	[smem:$0x3FB2] =	sst s0;
	s0 =	simm.s32 @!p1 $0x0  }
0x14: {  	s2 =	sld [smem:$0x3F96];
	s0 =	simm.s32 @p1 $0x1  }
0x15: {  	[smem:$0x3FB3] =	sst s0;
	s0 =	simm.s32 @!p2 $0x0  }
0x16: {  	s3 =	sld [smem:$0x3FDB];
	s0 =	simm.s32 @p2 $0x1  }
0x17: {  	s4 =	simm.s32 $0x1BF5;
	[smem:$0x3FB5] =	sst s0  }
0x18: {  	s0 =	sld [smem:$0x3F98];
	_ =	swait.ge [sflag:s4], $0x0  }
0x19: {  	s7 =	sld [smem:$0x3F99]  }
0x1a: {  	s8 =	sadd.s32 $0xFFFFE003, lr  }
0x1b: {  	s9 =	sadd.s32 $0xFFFFFEF7, lr;
	s5 =	simm.s32 $0xFFFFFFFF;
	p2 =	slt.u32 s8, $0xFFFFF086  }
0x1c: {  	p1 =	slt.u32 s9, $0xF7A;
	s5 =	simm.s32 @!p2 $0x0  }
0x1d: {  	s5 =	simm.s32 @p1 $0x1;
	p0 =	seq.s32 s7, s2  }
0x1e: {  	s7 =	smul.u32 @!p0 $0xF7A, s2;
	p2 =	seq.s32 @!p0 s5, $0x0  }
0x1f: {  	s9 =	smul.u32 $0xF7A, s1;
	s8 =	simm.s32 @!p0 $0x1BF5;
	p2 =	por !p2, p0  }
0x20: {  	[sflag:s8] =	ssyncset.s32 @!p0 $0xFFFFF086;
	s6 =	sadd.s32 @!p0 s3, s7;
	s7 =	simm.s32 @!p0 $0x108  }
0x21: {  	s3 =	sadd.s32 s3, s9;
	s6 =	sadd.s32 @!p0 $0x88, s6;
	s7 =	simm.s32 @p2 $0x1082  }
0x22: {  	[simem:s7], [sflag:s8] =	dma.local @!p0 [hbm:s6], $0xF7A  }
0x23: {  	s9 =	sor.u32 $0xD0000000, s2;
	s6 =	simm.s32 $0x108;
	_ =	swait.ge @!p0 [sflag:s8], $0x0  }
0x24: {  	s3 =	sadd.s32 $0x88, s3;
	s6 =	simm.s32 @!p1 $0x1082;
	[sflag:s4] =	ssyncset.s32 $0xFFFFF086  }
0x25: {  	[simem:s6], [sflag:s4] =	dma.local [hbm:s3], $0xF7A  }
0x26: {  	[smem:$0x3F99] =	sst s1;
	(tag) =	ssettag s2;
	_ =	strace s9  }
0x27: {  	s1 =	sld [smem:$0x3FA9]  }
0x28: {  	s2 =	sld [smem:$0x3FAA]  }
0x29: {  	s4 =	sld [smem:$0x3FAC]  }
0x2a: {  	p0 =	seq.s32 s5, $0x0;
	s5 =	sld [smem:$0x3FAD]  }
0x2b: {  	s6 =	sld [smem:$0x3FAE]  }
0x2c: {  	s7 =	sld [smem:$0x3FAF]  }
0x2d: {  	s3 =	simm.s32 $0x108;
	s8 =	sld [smem:$0x3FB0]  }
0x2e: {  	s3 =	simm.s32 @!p0 $0x1082;
	s9 =	sld [smem:$0x3FB1]  }
0x2f: {  	lr =	sadd.s32 s0, s3;
	s0 =	sld [smem:$0x3FA8]  }
0x30: {  	s3 =	sld [smem:$0x3FAB]  }
0x31: {  	[smem:$0x3FB4] =	sst s10  }
0x32: {  	s10 =	sld [smem:$0x3FB2];
	_ =	sdelay $0x3  }
0x33: {  	p0 =	seq.s32 s10, $0x1;
	s10 =	sld [smem:$0x3FB4];
	_ =	sdelay $0x3  }
0x34: {  	[smem:$0x3FB4] =	sst s10  }
0x35: {  	s10 =	sld [smem:$0x3FB3];
	_ =	sdelay $0x3  }
0x36: {  	p1 =	seq.s32 s10, $0x1;
	s10 =	sld [smem:$0x3FB4];
	_ =	sdelay $0x3  }
0x37: {  	[smem:$0x3FB4] =	sst s10  }
0x38: {  	s10 =	sld [smem:$0x3FB5]  }
0x39: {  	_ = 	snop;
	(pc) =	sbr.ind lr, $3  }
0x3a: {  	_ = 	snop  }
0x3b: {  	_ = 	snop  }
0x3c: {  	p2 =	seq.s32 s10, $0x1;
	s10 =	sld [smem:$0x3FB4]  }
0x3d: {  	_ =	shalt  }
0x3e: {  	_ =	shalt  }
0x3f: {  	_ =	shalt  }
0x40: {  	_ =	shalt  }
0x41: {  	_ =	shalt  }
0x42: {  	_ =	shalt  }
0x43: {  	_ =	shalt  }
0x44: {  	_ =	shalt  }
0x45: {  	_ =	shalt  }
0x46: {  	_ =	shalt  }
0x47: {  	_ =	shalt  }
0x48: {  	_ =	shalt  }
0x49: {  	_ =	shalt  }
0x4a: {  	_ =	shalt  }
0x4b: {  	_ =	shalt  }
0x4c: {  	_ =	shalt  }
0x4d: {  	_ =	shalt  }
0x4e: {  	_ =	shalt  }
0x4f: {  	_ =	shalt  }
0x50: {  	_ =	shalt  }
0x51: {  	_ =	shalt  }
0x52: {  	_ =	shalt  }
0x53: {  	_ =	shalt  }
0x54: {  	_ =	shalt  }
0x55: {  	_ =	shalt  }
0x56: {  	_ =	shalt  }
0x57: {  	_ =	shalt  }
0x58: {  	_ =	shalt  }
0x59: {  	_ =	shalt  }
0x5a: {  	_ =	shalt  }
0x5b: {  	_ =	shalt  }
0x5c: {  	_ =	shalt  }
0x5d: {  	_ =	shalt  }
0x5e: {  	_ =	shalt  }
0x5f: {  	_ =	shalt  }
0x60: {  	_ =	shalt  }
0x61: {  	_ =	shalt  }
0x62: {  	_ =	shalt  }
0x63: {  	_ =	shalt  }
0x64: {  	_ =	shalt  }
0x65: {  	_ =	shalt  }
0x66: {  	_ =	shalt  }
0x67: {  	_ =	shalt  }
0x68: {  	_ =	shalt  }
0x69: {  	_ =	shalt  }
0x6a: {  	_ =	shalt  }
0x6b: {  	_ =	shalt  }
0x6c: {  	_ =	shalt  }
0x6d: {  	_ =	shalt  }
0x6e: {  	_ =	shalt  }
0x6f: {  	_ =	shalt  }
0x70: {  	_ =	shalt  }
0x71: {  	_ =	shalt  }
0x72: {  	_ =	shalt  }
0x73: {  	_ =	shalt  }
0x74: {  	_ =	shalt  }
0x75: {  	_ =	shalt  }
0x76: {  	_ =	shalt  }
0x77: {  	_ =	shalt  }
0x78: {  	_ =	shalt  }
0x79: {  	_ =	shalt  }
0x7a: {  	_ =	shalt  }
0x7b: {  	_ =	shalt  }
0x7c: {  	_ =	shalt  }
0x7d: {  	_ =	shalt  }
0x7e: {  	_ =	shalt  }
0x7f: {  	_ =	shalt  }
0x80: {  	_ =	shalt  }
0x81: {  	_ =	shalt  }
0x82: {  	_ =	shalt  }
0x83: {  	_ =	shalt  }
0x84: {  	_ =	shalt  }
0x85: {  	_ =	shalt  }
0x86: {  	_ =	shalt  }
0x87: {  	_ =	shalt  }
.Lfunc_end0:
.L_simem_size_0:
called_computation_lowered:
.L_overlay_start_0:
0x88: {  	s2 =	sld [smem:$0x3FD9]  }
0x89: {  	s3 =	sld [smem:$0x3FFE];
	_ =	sdelay $0x1  }
0x8a: {  	s1 =	srdreg.scid  }
0x8b: {  	s0 =	sand.u32 $0x1, s1  }
0x8c: {  	s17 =	sshll.u32 s0, $0xA;
	s2 =	sadd.s32 s3, s2  }
0x8d: {  	s2 =	sadd.s32 s2, s17  }
0x8e: {  	[smem:$0x3FC0] =	sst s2  }
0x8f: {  	_ = 	snop  }
0x90: {  	s2 =	sld [smem:$0x3FC9]  }
0x91: {  	s18 =	sld [smem:$0x3FD0];
	(tm) =	ssettm $0x1  }
0x92: {  	s4 =	sld [smem:$0x3FFB];
	_ =	sdelay $0x3  }
0x93: {  	_ =	strace s4  }
0x94: {  	s4 =	sld [smem:$0x3FFC];
	_ =	sdelay $0x3  }
0x95: {  	_ =	strace s4  }
0x96: {  	s4 =	sld [smem:$0x3FFD];
	_ =	sdelay $0x3  }
0x97: {  	_ =	strace s4  }
0x98: {  	_ =	strace $0x8FFFFFFF  }
0x99: {  	s19 =	sld [smem:$0x3FDB];
	_ =	sdelay $0x1  }
0x9a: {  	s5 =	simm.s32 $_scs_section_size  }
0x9b: {  	s6 =	simm.s32 $_size__tile_overlayer_lowered;
	s7 =	simm.s32 $_tile_overlayer_lowered  }
0x9c: {  	s22 =	simm.s32 $0x1BFF;
	s21 =	sshll.u32 s7, $0x1;
	s4 =	sadd.s32 s5, s19  }
0x9d: {  	s8 =	simm.s32 $0x0;
	s20 =	sshll.u32 s6, $0x1;
	s6 =	sadd.s32 s21, s4  }
0x9e: {  	[timem:s8], [sflag:s22] =	dma.local [hbm:s6], s20  }
0x9f: {  	_ =	swait.ge [sflag:s22], s20  }
0xa0: {  	s5 =	ssub.s32 $0x0, s20;
	[sflag:s22] =	ssyncset.done $0x0  }
0xa1: {  	[sflag:s22] =	ssyncadd.s32 s5;
	_ =	sdelay $0x1  }
0xa2: {  	s23 =	simm.s32 $0x1B8B  }
0xa3: {  	_ =	swait.ge [sflag:s23], $0x1  }
0xa4: {  	[sflag:s23] =	ssyncset.done $0x0  }
0xa5: {  	s25 =	simm.s32 $0x1B8E;
	s24 =	sld [smem:$0x3FFE];
	[sflag:s23] =	ssyncadd.s32 $0xFFFFFFFF  }
0xa6: {  	s26 =	simm.s32 $execute0_lowered;
	[smem:$0x3FD2] =	sst s25  }
0xa7: {  	s6 =	sshll.u32 s26, $0x1;
	_ =	strace $0x80000046;
	[dreg:$0x1] =	wrdreg $0xFFFFFFFF  }
0xa8: {  	s28 =	simm.s32 $_size_execute0_lowered;
	s4 =	sadd.s32 s4, s6;
	[dreg:$0x0] =	wrdreg $0x0  }
0xa9: {  	s6 =	sshll.u32 s28, $0x1;
	[dreg:$0x2] =	wrdreg s4  }
0xaa: {  	[dreg:$0x3] =	wrdreg s6  }
0xab: {  	[dreg:$0x4] =	wrdreg $0xC0  }
0xac: {  	_ =	task [dreg:s8], $0x5FFFF  }
0xad: {  	[dreg:$0x1] =	wrdreg $0xFFFFFFFF  }
0xae: {  	[dreg:$0x0] =	wrdreg $0x60  }
0xaf: {  	[dreg:$0x2] =	wrdreg s2  }
0xb0: {  	[dreg:$0x3] =	wrdreg s24  }
0xb1: {  	[dreg:$0x4] =	wrdreg s18  }
0xb2: {  	[dreg:$0x5] =	wrdreg $0x83000  }
0xb3: {  	[dreg:$0x6] =	wrdreg $0x9  }
0xb4: {  	_ =	task.clear_ibuf [dreg:s8], $0x7FFFF;
	_ =	strace $0x90000046  }
0xb5: {  	s29 =	simm.s32 $0x9;
	_ =	strace $0x80000048  }
0xb6: {  	_ =	swait.ge [sflag:s29], $0x1  }
0xb7: {  	[sflag:s29] =	ssyncadd.s32 $0xFFFFFFFF  }
0xb8: {  	_ =	strace $0x90000048  }
0xb9: {  	_ =	sfence  }
0xba: {  	s30 =	sld [smem:$0x0];
	_ =	sdelay $0x2  }
0xbb: {  	s31 =	sshll.u32 s1, $0xD;
	s1 =	sshrl.u32 s1, $0x2  }
0xbc: {  	s3 =	sand.u32 $0x4000, s31;
	s1 =	sadd.s32 s1, s30  }
0xbd: {  	s0 =	sor.u32 s3, s0;
	s1 =	sshll.u32 s1, $0x11  }
0xbe: {  	s0 =	sor.u32 s1, s0  }
0xbf: {  	s0 =	sadd.s32 $0x8F2B, s0  }
0xc0: {  	[sflag:s0] =	ssyncadd.remote.s32 $0x1  }
0xc1: {  	_ =	sfence.sel $0xFFFF  }
0xc2: {  	[dreg:$0x0] =	wrdreg $0xFFFFFFFF;
	(pc) =	sbr.abs _section_cstart, $3  }
0xc3: {  	[dreg:$0x1] =	wrdreg $0xFFFFFFFF  }
0xc4: {  	_ =	task.clear_ibuf [dreg:s8], $0x2FFFF;
	_ =	strace $0x9FFFFFFF  }
0xc5: {  	(tm) =	ssettm $0x7FFFFFFF  }
tec
execute0_lowered:
.L_overlay_start_1:
0x0: {  	(tag) =	ssettag $0x1  }
0x1: {  	s1 =	rddreg [dreg:$0x0]  }
0x2: {  	s2 =	rddreg [dreg:$0x1]  }
0x3: {  	s0 =	stileid.u32;
	s3 =	srdreg.scid  }
0x4: {  	s9 =	rddreg [dreg:$0x2];
	s7 =	simm.s32 $0x0;
	s29 =	simm.s32 $0x3  }
0x5: {  	s4 =	smul.u32 $0x36, s0;
	s6 =	sand.u32 $0x1, s3;
	s3 =	rddreg [dreg:$0x3]  }
0x6: {  	s31 =	simm.s32 $0x0;
	s5 =	smul.u32 $0x67, s0;
	[smem:$0x7FF] =	sst s7  }
0x7: {  	s18 =	sshll.u32 s0, $0x1;
	p0 =	seq.s32 s6, $0x0;
	s16 =	ssub.s32 $0x2, s6  }
0x8: {  	_ =	strace $0x80000047;
	s7 =	sor.u32 s6, s18;
	s20 =	smul.u32 $0x138800, s6  }
0x9: {  	s6 =	sadd.s32 $0x138000, s3;
	s4 =	sadd.s32 $0x670, s4;
	s17 =	sshrl.u32 s16, $0x1  }
0xa: {  	s10 =	smul.u32 $0x4F0, s7;
	s4 =	smov.u32 @p0 s5;
	s11 =	ssub.s32 s16, s17  }
0xb: {  	s5 =	simm.s32 $0x67;
	s12 =	sshrl.u32 s20, $0x3;
	s16 =	sshll.u32 s0, $0xE  }
0xc: {  	s4 =	sshll.u32 s4, $0x5;
	s5 =	simm.s32 @!p0 $0x36;
	s22 =	sadd.s32 s9, s10  }
0xd: {  	s11 =	smax.u32 s11, $0x1;
	s17 =	sor.u32 $0x40000, s16;
	s18 =	sor.u32 $0x80000, s16  }
0xe: {  	s4 =	sadd.s32 s4, s2;
	s2 =	sadd.s32 $0x15800, s2;
	[dreg:$0x7] =	wrdreg s22  }
0xf: {  	s13 =	sadd.s32 s17, s3;
	s14 =	sadd.s32 s18, s3;
	s24 =	sadd.s32 s20, s17  }
0x10: {  	s25 =	sadd.s32 s20, s18;
	s19 =	sadd.s32 $0x1E00, s4;
	s21 =	sadd.s32 $0x1E20, s4  }
0x11: {  	s23 =	sadd.s32 s2, s12;
	s12 =	sadd.s32 s16, s3;
	s24 =	sshrl.u32 s24, $0x3  }
0x12: {  	s26 =	sshrl.u32 s25, $0x3;
	s25 =	simm.s32 $0x4;
	[dreg:$0x5] =	wrdreg s19  }
0x13: {  	[dreg:$0x6] =	wrdreg s21;
	s10 =	sadd.s32 $0x27000, s23;
	s19 =	sor.u32 $0xC0000, s16  }
0x14: {  	s21 =	sor.u32 $0x40, s0;
	s23 =	sadd.s32 s20, s16;
	s18 =	sadd.s32 s2, s24  }
0x15: {  	s24 =	simm.s32 $0x5;
	s15 =	sadd.s32 s19, s3;
	s22 =	sshll.u32 s21, $0xE  }
0x16: {  	s23 =	sshrl.u32 s23, $0x3;
	s28 =	sadd.s32 s20, s19;
	s19 =	sadd.s32 s2, s26  }
0x17: {  	p0 =	slt.u32 s21, $0x4E;
	s16 =	sadd.s32 s22, s3;
	s17 =	sadd.s32 s2, s23  }
0x18: {  	s30 =	sshrl.u32 s28, $0x3;
	s22 =	sadd.s32 s20, s22;
	p1 =	sne.s32 @!p0 s0, $0xE  }
0x19: {  	s23 =	simm.s32 $0x300;
	s20 =	sadd.s32 s2, s30;
	s22 =	sshrl.u32 s22, $0x3  }
0x1a: {  	v0 =	vimm.f32 $0.0e+00;
	p1 =	por p1, p0;
	s21 =	sadd.s32 s2, s22;
	s2 =	sadd.s32 $0x1E40, s4  }
.LBB2_1:
0x1b: {  	s4 =	simm.s32 $0x0;
	s22 =	simm.s32 $0x200  }
.LBB2_2:
0x1c: {  	p2 =	sne.s32 s22, $0xFE00;
	[tilespmem:s4+$0x370] =	vst v0  }
0x1d: {  	[tilespmem:s4+$0x300] =	vst v0  }
0x1e: {  	[tilespmem:s4+$0x310] =	vst v0  }
.Ltmp0:
0x1f: {  	[tilespmem:s4+$0x320] =	vst v0;
	(pc) =	sbr.rel @p2 .LBB2_2-.Ltmp0, $4  }
0x20: {  	[tilespmem:s4+$0x330] =	vst v0  }
0x21: {  	[tilespmem:s4+$0x340] =	vst v0  }
0x22: {  	[tilespmem:s4+$0x350] =	vst v0  }
0x23: {  	[tilespmem:s4+$0x360] =	vst v0;
	s4 =	sshra.s32 s22, $0x2;
	s22 =	sadd.s32 $0x200, s22  }
0x24: {  	[tilespmem:s4+$0x370] =	vst v0  }
0x25: {  	[tilespmem:s4+$0x300] =	vst v0  }
0x26: {  	[tilespmem:s4+$0x310] =	vst v0  }
0x27: {  	[tilespmem:s4+$0x320] =	vst v0  }
0x28: {  	[tilespmem:s4+$0x330] =	vst v0  }
0x29: {  	[tilespmem:s4+$0x340] =	vst v0  }
0x2a: {  	[tilespmem:s4+$0x350] =	vst v0  }
0x2b: {  	[tilespmem:s4+$0x360] =	vst v0  }
0x2c: {  	[spmem:s12] =	stream.linear.scatter [tilespmem:s23], [sflag:$0x5], $0x4000, $0x38;
	[tilespmem:$0x1E340] =	vst v63  }
0x2d: {  	_ =	swait.ge [sflag:s24], $0x4000  }
0x2e: {  	[sflag:s24] =	ssyncset.done $0x0  }
0x2f: {  	[sflag:s24] =	ssyncadd.s32 $0xFFFFC000  }
0x30: {  	[spmem:s13] =	stream.linear.scatter [tilespmem:s23], [sflag:$0x5], $0x4000, $0x38;
	[tilespmem:$0x1E340] =	vst v63  }
0x31: {  	_ =	swait.ge [sflag:s24], $0x4000  }
0x32: {  	[sflag:s24] =	ssyncset.done $0x0  }
0x33: {  	[sflag:s24] =	ssyncadd.s32 $0xFFFFC000  }
0x34: {  	[spmem:s14] =	stream.linear.scatter [tilespmem:s23], [sflag:$0x5], $0x4000, $0x38;
	[tilespmem:$0x1E340] =	vst v63  }
0x35: {  	_ =	swait.ge [sflag:s24], $0x4000  }
0x36: {  	[sflag:s24] =	ssyncset.done $0x0  }
0x37: {  	[sflag:s24] =	ssyncadd.s32 $0xFFFFC000  }
0x38: {  	[spmem:s15] =	stream.linear.scatter [tilespmem:s23], [sflag:$0x5], $0x4000, $0x38;
	[tilespmem:$0x1E340] =	vst v63  }
0x39: {  	_ =	swait.ge [sflag:s24], $0x4000  }
0x3a: {  	[sflag:s24] =	ssyncset.done $0x0  }
0x3b: {  	s4 =	simm.s32 @p0 $0x300;
	[sflag:s24] =	ssyncadd.s32 $0xFFFFC000  }
0x3c: {  	[spmem:s16] =	stream.linear.scatter @p0 [tilespmem:s4], [sflag:$0x5], $0x4000, $0x38;
	[tilespmem:$0x1E340] =	vst v63  }
0x3d: {  	s4 =	simm.s32 @p0 $0x5  }
0x3e: {  	_ =	swait.ge @p0 [sflag:s4], $0x4000  }
0x3f: {  	[sflag:s4] =	ssyncset.done @p0 $0x0  }
0x40: {  	[sflag:s4] =	ssyncadd.s32 @p0 $0xFFFFC000;
	s4 =	simm.s32 @!p1 $0x300  }
0x41: {  	[spmem:s6] =	stream.linear.scatter @!p1 [tilespmem:s4], [sflag:$0x4], $0xC00, $0x38;
	[tilespmem:$0x1E340] =	vst v63  }
0x42: {  	s4 =	simm.s32 @!p1 $0x4  }
0x43: {  	_ =	swait.ge @!p1 [sflag:s4], $0xC00  }
0x44: {  	[sflag:s4] =	ssyncset.done @!p1 $0x0  }
0x45: {  	s22 =	simm.s32 $0x0;
	[sflag:s4] =	ssyncadd.s32 @!p1 $0xFFFFF400;
	s4 =	simm.s32 $0x40  }
.LBB2_4:
0x46: {  	p2 =	sne.s32 s4, $0x9C40;
	[tilespmem:s22+$0x1BBC0] =	vst v0;
	s22 =	smov.u32 s4;
	s4 =	sadd.s32 $0x40, s4  }
.Ltmp1:
0x47: {  	(pc) =	sbr.rel @p2 .LBB2_4-.Ltmp1, $2  }
0x48: {  	_ =	sdelay $0x2  }
0x49: {  	s22 =	sshra.s32 s22, $0x2  }
0x4a: {  	[tilespmem:s22+$0x1BBC0] =	vst v0  }
0x4b: {  	[bflag:$0x0] =	sbarrier.arrive $0xFFFF  }
0x4c: {  	s26 =	simm.s32 $0x0;
	s0 =	rddreg [dreg:$0x5]  }
0x4d: {  	[tilespmem:s26], [sflag:$0x4] =	stream.linear.gather [hbm4b:s0+s26], $0x100, $0x38;
	[tilespmem:$0x1E340] =	vst v63  }
0x4e: {  	_ =	swait.ge [sflag:s25], $0x100  }
0x4f: {  	[sflag:s25] =	ssyncset.done $0x0  }
0x50: {  	s4 =	simm.s32 $0x100;
	s28 =	rddreg [dreg:$0x6];
	[sflag:s25] =	ssyncadd.s32 $0xFFFFFF00  }
0x51: {  	[tilespmem:s4], [sflag:$0x2] =	stream.linear.gather [hbm4b:s28+s26], $0x100, $0x38;
	[tilespmem:$0x1E340] =	vst v63  }
0x52: {  	s30 =	simm.s32 $0x80;
	s22 =	smov.u32 s2;
	s4 =	simm.s32 $0x0  }
0x53: {  	[tilespmem:s23], [sflag:$0x1] =	stream.indirect.gather [hbm4b:s1+s30], $0x80, s26, s30, $0xb8;
	[tilespmem:$0x1E340] =	vst v63  }
.LBB2_6:
0x54: {  	s30 =	smul.u32 $0xAB, s26;
	s28 =	sadd.s32 $0x1, s26;
	p2 =	sge.u32 s26, s5  }
0x55: {  	p3 =	sge.u32 @!p2 s28, s5  }
0x56: {  	p4 =	seq.s32 @!p2 s26, $0x0;
	s0 =	sshrl.u32 s30, $0x9;
	p3 =	por p3, p2  }
0x57: {  	s8 =	sadd.s32 $0xAB, s30;
	p4 =	por p4, p2;
	s7 =	simm.s32 @!p3 $0x2  }
0x58: {  	s30 =	sadd.s32 $0x156, s30;
	s0 =	sand.u32 $0x7F, s0;
	_ =	swait.ge @!p3 [sflag:s7], $0x100  }
0x59: {  	s8 =	sshrl.u32 s8, $0x9;
	s9 =	sxor.u32 @!p3 $0xFFFFFFFF, s4;
	[sflag:s7] =	ssyncset.done @!p3 $0x0  }
0x5a: {  	s30 =	sshrl.u32 s30, $0x9;
	[sflag:s7] =	ssyncadd.s32 @!p3 $0xFFFFFF00;
	s7 =	simm.s32 @!p2 $0x1  }
0x5b: {  	s0 =	smul.u32 $0x3, s0;
	s8 =	sand.u32 $0x7F, s8;
	_ =	swait.ge @!p2 [sflag:s7], $0x4000  }
0x5c: {  	s9 =	sand.u32 @!p3 $0x10000, s9;
	s8 =	smul.u32 $0x3, s8;
	[sflag:s7] =	ssyncset.done @!p2 $0x0  }
0x5d: {  	s30 =	sand.u32 $0x7F, s30;
	[sflag:s7] =	ssyncadd.s32 @!p2 $0xFFFFC000;
	s7 =	simm.s32 @!p4 $0x3  }
0x5e: {  	s0 =	ssub.s32 s26, s0;
	s8 =	ssub.s32 s28, s8;
	_ =	swait.ge @!p4 [sflag:s7], $0x4000  }
0x5f: {  	s0 =	sand.u32 $0xFF, s0;
	s8 =	sand.u32 $0xFF, s8;
	[sflag:s7] =	ssyncset.done @!p4 $0x0  }
0x60: {  	s0 =	sshll.u32 @!p2 s0, $0x8;
	[sflag:s7] =	ssyncadd.s32 @!p4 $0xFFFFC000;
	s7 =	sshrl.u32 @!p3 s9, $0x2  }
0x61: {  	s8 =	sshll.u32 @!p3 s8, $0x8;
	s9 =	simm.s32 @!p3 $0x80;
	s7 =	sor.u32 @!p3 $0x300, s7  }
0x62: {  	[tilespmem:s7], [sflag:$0x1] =	stream.indirect.gather @!p3 [hbm4b:s1+s9], $0x80, s8, s9, $0xb8;
	[tilespmem:$0x1E340] =	vst v63  }
0x63: {  	s7 =	sadd.s32 $0x2, s26;
	s9 =	sand.u32 @!p2 $0x10000, s4;
	s8 =	smul.u32 $0x3, s30  }
0x64: {  	s26 =	sor.u32 @!p2 $0x80, s0;
	s30 =	simm.s32 @!p2 $0x80;
	s9 =	sshrl.u32 @!p2 s9, $0x2  }
0x65: {  	p3 =	sge.u32 @!p2 s7, s5;
	s9 =	sor.u32 @!p2 $0x300, s9;
	s8 =	ssub.s32 s7, s8  }
0x66: {  	[spmem:s3] =	stream.indirect.scatter.add.f32 @!p2 [tilespmem:s9], [sflag:$0x3], $0x80, s26, s30, $0xb8;
	[tilespmem:$0x1E340] =	vst v63  }
0x67: {  	p3 =	por p3, p2;
	s7 =	sand.u32 $0xFF, s8  }
0x68: {  	s8 =	simm.s32 @!p3 $0x0;
	s7 =	sshll.u32 @!p3 s7, $0x8  }
0x69: {  	[tilespmem:s7], [sflag:$0x2] =	stream.linear.gather @!p3 [hbm4b:s22+s8], $0x100, $0x38;
	[tilespmem:$0x1E340] =	vst v63  }
0x6a: {  	v1 =	vld @!p2 [tilespmem:s0+$0x80];
	_ =	sdelay $0x6  }
0x6b: {  	v2 =	vimm.f32 @!p2 $1.000000000e+00;
	s7 =	simm.s32 @!p2 $0x1BBC0  }
0x6c: {  	[tilespmem:v1+s7+$0x0] =	vst.idx.add.f32.msk @!p2 $0xffff, v2  }
0x6d: {  	v1 =	vld @!p2 [tilespmem:s0+$0x90];
	_ =	sdelay $0x7  }
0x6e: {  	[tilespmem:v1+s7+$0x0] =	vst.idx.add.f32.msk @!p2 $0xffff, v2  }
0x6f: {  	v1 =	vld @!p2 [tilespmem:s0+$0xA0];
	_ =	sdelay $0x7  }
0x70: {  	[tilespmem:v1+s7+$0x0] =	vst.idx.add.f32.msk @!p2 $0xffff, v2  }
0x71: {  	v1 =	vld @!p2 [tilespmem:s0+$0xB0];
	_ =	sdelay $0x7  }
0x72: {  	[tilespmem:v1+s7+$0x0] =	vst.idx.add.f32.msk @!p2 $0xffff, v2  }
0x73: {  	v1 =	vld @!p2 [tilespmem:s0+$0xC0];
	_ =	sdelay $0x7  }
0x74: {  	[tilespmem:v1+s7+$0x0] =	vst.idx.add.f32.msk @!p2 $0xffff, v2  }
0x75: {  	v1 =	vld @!p2 [tilespmem:s0+$0xD0];
	_ =	sdelay $0x7  }
0x76: {  	[tilespmem:v1+s7+$0x0] =	vst.idx.add.f32.msk @!p2 $0xffff, v2  }
0x77: {  	v1 =	vld @!p2 [tilespmem:s0+$0xE0];
	_ =	sdelay $0x7  }
0x78: {  	[tilespmem:v1+s7+$0x0] =	vst.idx.add.f32.msk @!p2 $0xffff, v2  }
0x79: {  	v1 =	vld @!p2 [tilespmem:s0+$0xF0];
	_ =	sdelay $0x2  }
0x7a: {  	p3 =	sne.s32 s28, $0x67  }
.Ltmp2:
0x7b: {  	_ = 	snop;
	(pc) =	sbr.rel @p3 .LBB2_6-.Ltmp2, $2  }
0x7c: {  	_ =	sdelay $0x2  }
0x7d: {  	s4 =	sadd.s32 $0x10000, s4;
	s26 =	smov.u32 s28;
	s22 =	sadd.s32 $0x20, s22;
	[tilespmem:v1+s7+$0x0] =	vst.idx.add.f32.msk @!p2 $0xffff, v2  }
0x7e: {  	_ =	swait.ge [sflag:s29], $0x4000  }
0x7f: {  	s0 =	simm.s32 $0x0;
	[sflag:s29] =	ssyncset.done $0x0  }
0x80: {  	s7 =	simm.s32 $0x1BBC0;
	s4 =	rddreg [dreg:$0x7];
	[sflag:s29] =	ssyncadd.s32 $0xFFFFC000  }
0x81: {  	[hbm4b:s4+s0] =	stream.linear.scatter [tilespmem:s7], [sflag:$0x4], $0x2710, $0x38;
	[tilespmem:$0x1E340] =	vst v63  }
0x82: {  	_ =	swait.ge [sflag:s25], $0x2710  }
0x83: {  	s8 =	stileid.u32;
	[sflag:s25] =	ssyncset.done $0x0  }
0x84: {  	s9 =	sshll.u32 s8, $0x6;
	[sflag:s25] =	ssyncadd.s32 $0xFFFFD8F0  }
0x85: {  	s22 =	sshrl.u32 s12, $0x3;
	s0 =	sor.u32 $0x1C05, s9;
	[bflag:$0x0] =	sbarrier.arrive $0xFFFF  }
0x86: {  	[hbm:s17], [sflag:s0] =	dma.local [spmem:s22], $0x800  }
0x87: {  	_ =	swait.ge [sflag:s24], $0x800  }
0x88: {  	[sflag:s24] =	ssyncset.done $0x0  }
0x89: {  	s26 =	sshrl.u32 s13, $0x3;
	[sflag:s24] =	ssyncadd.s32 $0xFFFFF800  }
0x8a: {  	[hbm:s18], [sflag:s0] =	dma.local [spmem:s26], $0x800  }
0x8b: {  	_ =	swait.ge [sflag:s24], $0x800  }
0x8c: {  	[sflag:s24] =	ssyncset.done $0x0  }
0x8d: {  	s28 =	sshrl.u32 s14, $0x3;
	[sflag:s24] =	ssyncadd.s32 $0xFFFFF800  }
0x8e: {  	[hbm:s19], [sflag:s0] =	dma.local [spmem:s28], $0x800  }
0x8f: {  	_ =	swait.ge [sflag:s24], $0x800  }
0x90: {  	[sflag:s24] =	ssyncset.done $0x0  }
0x91: {  	s30 =	sshrl.u32 s15, $0x3;
	[sflag:s24] =	ssyncadd.s32 $0xFFFFF800  }
0x92: {  	[hbm:s20], [sflag:s0] =	dma.local [spmem:s30], $0x800  }
0x93: {  	_ =	swait.ge [sflag:s24], $0x800  }
0x94: {  	[sflag:s24] =	ssyncset.done $0x0  }
0x95: {  	s4 =	sshrl.u32 @p0 s16, $0x3;
	[sflag:s24] =	ssyncadd.s32 $0xFFFFF800  }
0x96: {  	[hbm:s21], [sflag:s0] =	dma.local @p0 [spmem:s4], $0x800  }
0x97: {  	s0 =	simm.s32 @p0 $0x5  }
0x98: {  	s31 =	sadd.s32 $0x1, s31;
	_ =	swait.ge @p0 [sflag:s0], $0x800  }
0x99: {  	p2 =	sne.s32 s31, s11;
	s4 =	sshll.u32 @!p1 s8, $0x6;
	[sflag:s0] =	ssyncset.done @p0 $0x0  }
0x9a: {  	[sflag:s0] =	ssyncadd.s32 @p0 $0xFFFFF800;
	s0 =	sor.u32 @!p1 $0x1C04, s4;
	s4 =	sshrl.u32 @!p1 s6, $0x3  }
0x9b: {  	[hbm:s10], [sflag:s0] =	dma.local @!p1 [spmem:s4], $0x100  }
.Ltmp3:
0x9c: {  	_ = 	snop;
	(pc) =	sbr.rel @p2 .LBB2_1-.Ltmp3, $4  }
0x9d: {  	s0 =	simm.s32 @!p1 $0x4  }
0x9e: {  	_ =	swait.ge @!p1 [sflag:s0], $0x100  }
0x9f: {  	[sflag:s0] =	ssyncset.done @!p1 $0x0  }
0xa0: {  	s7 =	stileid.u32;
	[sflag:s0] =	ssyncadd.s32 @!p1 $0xFFFFFF00  }
0xa1: {  	_ =	sfence.sel $0x180000  }
0xa2: {  	[bflag:$0x0] =	sbarrier.arrive $0xFFFF  }
0xa3: {  	_ =	strace $0x90000047  }
0xa4: {  	[bflag:$0x2] =	sbarrier.arrive $0xFFFF  }
0xa5: {  	p0 =	sne.s32 s7, $0x0;
	s0 =	rddreg [dreg:$0x4]  }
0xa6: {  	s0 =	sadd.s32 @!p0 $0x100000, s0  }
0xa7: {  	[sflag:s0] =	ssyncadd.tile.s32 @!p0 $0x1;
	_ =	shalt  }
.Lfunc_end2:
_tile_overlayer_lowered:
.L_overlay_start_2:
0xa8: {  	(tag) =	ssettag $0x2  }
0xa9: {  	s0 =	rddreg [dreg:$0x0];
	s2 =	stileid.u32  }
0xaa: {  	s1 =	rddreg [dreg:$0x1];
	p0 =	sne.s32 s2, $0x0  }
0xab: {  	s3 =	rddreg [dreg:$0x2];
	[bflag:$0x3] =	sbarrier.arrive $0xFFFF;
	s2 =	simm.s32 @!p0 $0x1C04  }
0xac: {  	[timem:s3], [sflag:s2] =	dma.local @!p0 [hbm:s0], s1  }
0xad: {  	s0 =	simm.s32 @!p0 $0x4  }
0xae: {  	_ =	swait.ge @!p0 [sflag:s0], s1  }
0xaf: {  	s1 =	ssub.s32 @!p0 $0x0, s1;
	[sflag:s0] =	ssyncset.done @!p0 $0x0  }
0xb0: {  	[sflag:s0] =	ssyncadd.s32 @!p0 s1  }
0xb1: {  	[bflag:$0x3] =	sbarrier.arrive $0xFFFF  }
0xb2: {  	_ =	shalt  }

// kernel: kernel.9.cloned.1.call-start
scs
__scs_entry_jumppad:
0x0: {  	(pc) =	sbr.rel $0x88, $3  }
0x1: {  	(tag) =	ssettag $0x0;
	lr =	simm.s32 $0x1  }
0x2: {  	[smem:$0x3F99] =	sst lr;
	_ =	strace $0xD0000000  }
0x3: {  	_ = 	snop  }
0x4: {  	_ = 	snop  }
0x5: {  	_ = 	snop  }
0x6: {  	_ = 	snop  }
0x7: {  	_ = 	snop  }
__scs_overlays_trampoline_lowered:
0x8: {  	[smem:$0x3FA8] =	sst s0  }
0x9: {  	[smem:$0x3FA9] =	sst s1  }
0xa: {  	[smem:$0x3FAA] =	sst s2  }
0xb: {  	[smem:$0x3FAB] =	sst s3  }
0xc: {  	[smem:$0x3FAC] =	sst s4  }
0xd: {  	[smem:$0x3FAD] =	sst s5  }
0xe: {  	[smem:$0x3FAE] =	sst s6  }
0xf: {  	[smem:$0x3FAF] =	sst s7  }
0x10: {  	[smem:$0x3FB0] =	sst s8  }
0x11: {  	[smem:$0x3FB1] =	sst s9;
	s0 =	simm.s32 @!p0 $0x0  }
0x12: {  	s1 =	sld [smem:$0x3F97];
	s0 =	simm.s32 @p0 $0x1  }
0x13: {  	[smem:$0x3FB2] =	sst s0;
	s0 =	simm.s32 @!p1 $0x0  }
0x14: {  	s2 =	sld [smem:$0x3F96];
	s0 =	simm.s32 @p1 $0x1  }
0x15: {  	[smem:$0x3FB3] =	sst s0;
	s0 =	simm.s32 @!p2 $0x0  }
0x16: {  	s3 =	sld [smem:$0x3FDB];
	s0 =	simm.s32 @p2 $0x1  }
0x17: {  	s4 =	simm.s32 $0x1BF5;
	[smem:$0x3FB5] =	sst s0  }
0x18: {  	s0 =	sld [smem:$0x3F98];
	_ =	swait.ge [sflag:s4], $0x0  }
0x19: {  	s7 =	sld [smem:$0x3F99]  }
0x1a: {  	s8 =	sadd.s32 $0xFFFFE003, lr  }
0x1b: {  	s9 =	sadd.s32 $0xFFFFFEF7, lr;
	s5 =	simm.s32 $0xFFFFFFFF;
	p2 =	slt.u32 s8, $0xFFFFF086  }
0x1c: {  	p1 =	slt.u32 s9, $0xF7A;
	s5 =	simm.s32 @!p2 $0x0  }
0x1d: {  	s5 =	simm.s32 @p1 $0x1;
	p0 =	seq.s32 s7, s2  }
0x1e: {  	s7 =	smul.u32 @!p0 $0xF7A, s2;
	p2 =	seq.s32 @!p0 s5, $0x0  }
0x1f: {  	s9 =	smul.u32 $0xF7A, s1;
	s8 =	simm.s32 @!p0 $0x1BF5;
	p2 =	por !p2, p0  }
0x20: {  	[sflag:s8] =	ssyncset.s32 @!p0 $0xFFFFF086;
	s6 =	sadd.s32 @!p0 s3, s7;
	s7 =	simm.s32 @!p0 $0x108  }
0x21: {  	s3 =	sadd.s32 s3, s9;
	s6 =	sadd.s32 @!p0 $0x88, s6;
	s7 =	simm.s32 @p2 $0x1082  }
0x22: {  	[simem:s7], [sflag:s8] =	dma.local @!p0 [hbm:s6], $0xF7A  }
0x23: {  	s9 =	sor.u32 $0xD0000000, s2;
	s6 =	simm.s32 $0x108;
	_ =	swait.ge @!p0 [sflag:s8], $0x0  }
0x24: {  	s3 =	sadd.s32 $0x88, s3;
	s6 =	simm.s32 @!p1 $0x1082;
	[sflag:s4] =	ssyncset.s32 $0xFFFFF086  }
0x25: {  	[simem:s6], [sflag:s4] =	dma.local [hbm:s3], $0xF7A  }
0x26: {  	[smem:$0x3F99] =	sst s1;
	(tag) =	ssettag s2;
	_ =	strace s9  }
0x27: {  	s1 =	sld [smem:$0x3FA9]  }
0x28: {  	s2 =	sld [smem:$0x3FAA]  }
0x29: {  	s4 =	sld [smem:$0x3FAC]  }
0x2a: {  	p0 =	seq.s32 s5, $0x0;
	s5 =	sld [smem:$0x3FAD]  }
0x2b: {  	s6 =	sld [smem:$0x3FAE]  }
0x2c: {  	s7 =	sld [smem:$0x3FAF]  }
0x2d: {  	s3 =	simm.s32 $0x108;
	s8 =	sld [smem:$0x3FB0]  }
0x2e: {  	s3 =	simm.s32 @!p0 $0x1082;
	s9 =	sld [smem:$0x3FB1]  }
0x2f: {  	lr =	sadd.s32 s0, s3;
	s0 =	sld [smem:$0x3FA8]  }
0x30: {  	s3 =	sld [smem:$0x3FAB]  }
0x31: {  	[smem:$0x3FB4] =	sst s10  }
0x32: {  	s10 =	sld [smem:$0x3FB2];
	_ =	sdelay $0x3  }
0x33: {  	p0 =	seq.s32 s10, $0x1;
	s10 =	sld [smem:$0x3FB4];
	_ =	sdelay $0x3  }
0x34: {  	[smem:$0x3FB4] =	sst s10  }
0x35: {  	s10 =	sld [smem:$0x3FB3];
	_ =	sdelay $0x3  }
0x36: {  	p1 =	seq.s32 s10, $0x1;
	s10 =	sld [smem:$0x3FB4];
	_ =	sdelay $0x3  }
0x37: {  	[smem:$0x3FB4] =	sst s10  }
0x38: {  	s10 =	sld [smem:$0x3FB5]  }
0x39: {  	_ = 	snop;
	(pc) =	sbr.ind lr, $3  }
0x3a: {  	_ = 	snop  }
0x3b: {  	_ = 	snop  }
0x3c: {  	p2 =	seq.s32 s10, $0x1;
	s10 =	sld [smem:$0x3FB4]  }
0x3d: {  	_ =	shalt  }
0x3e: {  	_ =	shalt  }
0x3f: {  	_ =	shalt  }
0x40: {  	_ =	shalt  }
0x41: {  	_ =	shalt  }
0x42: {  	_ =	shalt  }
0x43: {  	_ =	shalt  }
0x44: {  	_ =	shalt  }
0x45: {  	_ =	shalt  }
0x46: {  	_ =	shalt  }
0x47: {  	_ =	shalt  }
0x48: {  	_ =	shalt  }
0x49: {  	_ =	shalt  }
0x4a: {  	_ =	shalt  }
0x4b: {  	_ =	shalt  }
0x4c: {  	_ =	shalt  }
0x4d: {  	_ =	shalt  }
0x4e: {  	_ =	shalt  }
0x4f: {  	_ =	shalt  }
0x50: {  	_ =	shalt  }
0x51: {  	_ =	shalt  }
0x52: {  	_ =	shalt  }
0x53: {  	_ =	shalt  }
0x54: {  	_ =	shalt  }
0x55: {  	_ =	shalt  }
0x56: {  	_ =	shalt  }
0x57: {  	_ =	shalt  }
0x58: {  	_ =	shalt  }
0x59: {  	_ =	shalt  }
0x5a: {  	_ =	shalt  }
0x5b: {  	_ =	shalt  }
0x5c: {  	_ =	shalt  }
0x5d: {  	_ =	shalt  }
0x5e: {  	_ =	shalt  }
0x5f: {  	_ =	shalt  }
0x60: {  	_ =	shalt  }
0x61: {  	_ =	shalt  }
0x62: {  	_ =	shalt  }
0x63: {  	_ =	shalt  }
0x64: {  	_ =	shalt  }
0x65: {  	_ =	shalt  }
0x66: {  	_ =	shalt  }
0x67: {  	_ =	shalt  }
0x68: {  	_ =	shalt  }
0x69: {  	_ =	shalt  }
0x6a: {  	_ =	shalt  }
0x6b: {  	_ =	shalt  }
0x6c: {  	_ =	shalt  }
0x6d: {  	_ =	shalt  }
0x6e: {  	_ =	shalt  }
0x6f: {  	_ =	shalt  }
0x70: {  	_ =	shalt  }
0x71: {  	_ =	shalt  }
0x72: {  	_ =	shalt  }
0x73: {  	_ =	shalt  }
0x74: {  	_ =	shalt  }
0x75: {  	_ =	shalt  }
0x76: {  	_ =	shalt  }
0x77: {  	_ =	shalt  }
0x78: {  	_ =	shalt  }
0x79: {  	_ =	shalt  }
0x7a: {  	_ =	shalt  }
0x7b: {  	_ =	shalt  }
0x7c: {  	_ =	shalt  }
0x7d: {  	_ =	shalt  }
0x7e: {  	_ =	shalt  }
0x7f: {  	_ =	shalt  }
0x80: {  	_ =	shalt  }
0x81: {  	_ =	shalt  }
0x82: {  	_ =	shalt  }
0x83: {  	_ =	shalt  }
0x84: {  	_ =	shalt  }
0x85: {  	_ =	shalt  }
0x86: {  	_ =	shalt  }
0x87: {  	_ =	shalt  }
.Lfunc_end0:
.L_simem_size_0:
called_computation.1_lowered:
.L_overlay_start_0:
0x88: {  	s2 =	sld [smem:$0x3FD9]  }
0x89: {  	s3 =	sld [smem:$0x3FFE];
	_ =	sdelay $0x1  }
0x8a: {  	s1 =	srdreg.scid  }
0x8b: {  	s0 =	sand.u32 $0x1, s1  }
0x8c: {  	s17 =	sshll.u32 s0, $0xA;
	s2 =	sadd.s32 s3, s2  }
0x8d: {  	s2 =	sadd.s32 s2, s17  }
0x8e: {  	[smem:$0x3FC0] =	sst s2  }
0x8f: {  	_ = 	snop  }
0x90: {  	s2 =	sld [smem:$0x3FD0];
	(tm) =	ssettm $0x1  }
0x91: {  	s18 =	sld [smem:$0x3FFB];
	_ =	sdelay $0x3  }
0x92: {  	_ =	strace s18  }
0x93: {  	s3 =	sld [smem:$0x3FFC];
	_ =	sdelay $0x3  }
0x94: {  	_ =	strace s3  }
0x95: {  	s3 =	sld [smem:$0x3FFD];
	_ =	sdelay $0x3  }
0x96: {  	_ =	strace s3  }
0x97: {  	_ =	strace $0x8FFFFFFF  }
0x98: {  	s19 =	sld [smem:$0x3FDB];
	_ =	sdelay $0x1  }
0x99: {  	s4 =	simm.s32 $_scs_section_size  }
0x9a: {  	s5 =	simm.s32 $_size__tile_overlayer_lowered;
	s6 =	simm.s32 $_tile_overlayer_lowered  }
0x9b: {  	s22 =	simm.s32 $0x1BFF;
	s21 =	sshll.u32 s6, $0x1;
	s3 =	sadd.s32 s4, s19  }
0x9c: {  	s7 =	simm.s32 $0x0;
	s20 =	sshll.u32 s5, $0x1;
	s5 =	sadd.s32 s21, s3  }
0x9d: {  	[timem:s7], [sflag:s22] =	dma.local [hbm:s5], s20  }
0x9e: {  	_ =	swait.ge [sflag:s22], s20  }
0x9f: {  	s4 =	ssub.s32 $0x0, s20;
	[sflag:s22] =	ssyncset.done $0x0  }
0xa0: {  	[sflag:s22] =	ssyncadd.s32 s4;
	_ =	sdelay $0x1  }
0xa1: {  	s23 =	simm.s32 $0x1B8B  }
0xa2: {  	_ =	swait.ge [sflag:s23], $0x1  }
0xa3: {  	[sflag:s23] =	ssyncset.done $0x0  }
0xa4: {  	s25 =	simm.s32 $0x1B8E;
	s24 =	sld [smem:$0x3FFE];
	[sflag:s23] =	ssyncadd.s32 $0xFFFFFFFF  }
0xa5: {  	s26 =	simm.s32 $execute0_lowered;
	[smem:$0x3FD2] =	sst s25  }
0xa6: {  	s5 =	sshll.u32 s26, $0x1;
	_ =	strace $0x80000049;
	[dreg:$0x1] =	wrdreg $0xFFFFFFFF  }
0xa7: {  	s28 =	simm.s32 $_size_execute0_lowered;
	s3 =	sadd.s32 s3, s5;
	[dreg:$0x0] =	wrdreg $0x0  }
0xa8: {  	s5 =	sshll.u32 s28, $0x1;
	[dreg:$0x2] =	wrdreg s3  }
0xa9: {  	[dreg:$0x3] =	wrdreg s5  }
0xaa: {  	[dreg:$0x4] =	wrdreg $0xC0  }
0xab: {  	_ =	task [dreg:s7], $0x5FFFF  }
0xac: {  	[dreg:$0x1] =	wrdreg $0xFFFFFFFF  }
0xad: {  	[dreg:$0x0] =	wrdreg $0x60  }
0xae: {  	[dreg:$0x2] =	wrdreg s2  }
0xaf: {  	[dreg:$0x3] =	wrdreg s24  }
0xb0: {  	[dreg:$0x4] =	wrdreg $0x83000  }
0xb1: {  	[dreg:$0x5] =	wrdreg $0x9  }
0xb2: {  	_ =	task.clear_ibuf [dreg:s7], $0x6FFFF;
	_ =	strace $0x90000049  }
0xb3: {  	s29 =	simm.s32 $0x9;
	_ =	strace $0x8000004B  }
0xb4: {  	_ =	swait.ge [sflag:s29], $0x1  }
0xb5: {  	[sflag:s29] =	ssyncadd.s32 $0xFFFFFFFF  }
0xb6: {  	_ =	strace $0x9000004B  }
0xb7: {  	_ =	sfence  }
0xb8: {  	s30 =	sld [smem:$0x0];
	_ =	sdelay $0x2  }
0xb9: {  	s31 =	sshll.u32 s1, $0xD;
	s1 =	sshrl.u32 s1, $0x2  }
0xba: {  	s3 =	sand.u32 $0x4000, s31;
	s1 =	sadd.s32 s1, s30  }
0xbb: {  	s0 =	sor.u32 s3, s0;
	s1 =	sshll.u32 s1, $0x11  }
0xbc: {  	s0 =	sor.u32 s1, s0  }
0xbd: {  	s0 =	sadd.s32 $0x8F2B, s0  }
0xbe: {  	[sflag:s0] =	ssyncadd.remote.s32 $0x1  }
0xbf: {  	_ =	sfence.sel $0xFFFF  }
0xc0: {  	[dreg:$0x0] =	wrdreg $0xFFFFFFFF;
	(pc) =	sbr.abs _section_cstart, $3  }
0xc1: {  	[dreg:$0x1] =	wrdreg $0xFFFFFFFF  }
0xc2: {  	_ =	task.clear_ibuf [dreg:s7], $0x2FFFF;
	_ =	strace $0x9FFFFFFF  }
0xc3: {  	(tm) =	ssettm $0x7FFFFFFF  }
tec
execute0_lowered:
.L_overlay_start_1:
0x0: {  	(tag) =	ssettag $0x1  }
0x1: {  	s2 =	rddreg [dreg:$0x0]  }
0x2: {  	s0 =	rddreg [dreg:$0x1]  }
0x3: {  	s3 =	rddreg [dreg:$0x2];
	s10 =	stileid.u32  }
0x4: {  	s1 =	srdreg.scid;
	s4 =	simm.s32 $0x0;
	s5 =	smul.u32 $0x36, s10  }
0x5: {  	s28 =	simm.s32 $0x3;
	s1 =	sand.u32 $0x1, s1;
	s6 =	smul.u32 $0x67, s10  }
0x6: {  	[smem:$0x7FF] =	sst s4;
	s15 =	sshll.u32 s10, $0xE;
	p0 =	seq.s32 s1, $0x0  }
0x7: {  	_ =	strace $0x8000004A;
	s22 =	ssub.s32 $0x2, s1;
	s1 =	smul.u32 $0x138800, s1  }
0x8: {  	s11 =	sadd.s32 s15, s3;
	s26 =	sor.u32 $0x40000, s15;
	s18 =	sor.u32 $0x80000, s15  }
0x9: {  	s19 =	sor.u32 $0xC0000, s15;
	s5 =	sadd.s32 $0x670, s5;
	s7 =	sshrl.u32 s22, $0x1  }
0xa: {  	s12 =	sadd.s32 s26, s3;
	s13 =	sadd.s32 s18, s3;
	s14 =	sadd.s32 s19, s3  }
0xb: {  	s5 =	smov.u32 @p0 s6;
	s7 =	ssub.s32 s22, s7;
	s6 =	simm.s32 $0x67  }
0xc: {  	s8 =	sshrl.u32 s1, $0x3;
	s22 =	sor.u32 $0x40, s10;
	s16 =	sadd.s32 s1, s15  }
0xd: {  	s30 =	sadd.s32 s1, s18;
	s19 =	sadd.s32 s1, s19;
	s5 =	sshll.u32 s5, $0x5  }
0xe: {  	s6 =	simm.s32 @!p0 $0x36;
	s7 =	smax.u32 s7, $0x1;
	s20 =	sshll.u32 s22, $0xE  }
0xf: {  	s16 =	sshrl.u32 s16, $0x3;
	s31 =	sshrl.u32 s19, $0x3;
	p0 =	slt.u32 s22, $0x4E  }
0x10: {  	s22 =	simm.s32 $0x300;
	s21 =	sadd.s32 s5, s0;
	s0 =	sadd.s32 $0x15800, s0  }
0x11: {  	s5 =	sadd.s32 $0x138000, s3;
	[dreg:$0x7] =	wrdreg s7;
	s7 =	sadd.s32 s1, s26  }
0x12: {  	s15 =	sadd.s32 s20, s3;
	s1 =	sadd.s32 s1, s20;
	p1 =	sne.s32 @!p0 s10, $0xE  }
0x13: {  	s9 =	sadd.s32 $0x1E00, s21;
	s23 =	sadd.s32 s0, s8;
	s24 =	sadd.s32 $0x1E20, s21  }
0x14: {  	s7 =	sshrl.u32 s7, $0x3;
	s29 =	sadd.s32 s0, s16;
	[dreg:$0x4] =	wrdreg s9  }
0x15: {  	s1 =	sshrl.u32 s1, $0x3;
	s19 =	sadd.s32 s0, s31;
	[dreg:$0x5] =	wrdreg s24  }
0x16: {  	p1 =	por p1, p0;
	s25 =	sadd.s32 $0x27000, s23;
	[dreg:$0x8] =	wrdreg s29  }
0x17: {  	s7 =	sadd.s32 s0, s7;
	s20 =	sadd.s32 s0, s1;
	s23 =	simm.s32 $0x5  }
0x18: {  	s24 =	simm.s32 $0x4;
	[dreg:$0x9] =	wrdreg s7;
	s7 =	sshrl.u32 s30, $0x3  }
0x19: {  	v0 =	vimm.f32 $0.0e+00;
	[dreg:$0x6] =	wrdreg s25;
	s18 =	sadd.s32 s0, s7;
	s0 =	sadd.s32 $0x1E40, s21  }
.LBB2_1:
0x1a: {  	s1 =	simm.s32 $0x0;
	s21 =	simm.s32 $0x200  }
.LBB2_2:
0x1b: {  	p2 =	sne.s32 s21, $0xFE00;
	[tilespmem:s1+$0x370] =	vst v0  }
0x1c: {  	[tilespmem:s1+$0x300] =	vst v0  }
0x1d: {  	[tilespmem:s1+$0x310] =	vst v0  }
.Ltmp0:
0x1e: {  	[tilespmem:s1+$0x320] =	vst v0;
	(pc) =	sbr.rel @p2 .LBB2_2-.Ltmp0, $4  }
0x1f: {  	[tilespmem:s1+$0x330] =	vst v0  }
0x20: {  	[tilespmem:s1+$0x340] =	vst v0  }
0x21: {  	[tilespmem:s1+$0x350] =	vst v0  }
0x22: {  	[tilespmem:s1+$0x360] =	vst v0;
	s1 =	sshra.s32 s21, $0x2;
	s21 =	sadd.s32 $0x200, s21  }
0x23: {  	[tilespmem:s1+$0x370] =	vst v0  }
0x24: {  	[tilespmem:s1+$0x300] =	vst v0  }
0x25: {  	[tilespmem:s1+$0x310] =	vst v0  }
0x26: {  	[tilespmem:s1+$0x320] =	vst v0  }
0x27: {  	[tilespmem:s1+$0x330] =	vst v0  }
0x28: {  	[tilespmem:s1+$0x340] =	vst v0  }
0x29: {  	[tilespmem:s1+$0x350] =	vst v0  }
0x2a: {  	[tilespmem:s1+$0x360] =	vst v0  }
0x2b: {  	[spmem:s11] =	stream.linear.scatter [tilespmem:s22], [sflag:$0x5], $0x4000, $0x38;
	[tilespmem:$0x1BBC0] =	vst v63  }
0x2c: {  	_ =	swait.ge [sflag:s23], $0x4000  }
0x2d: {  	[sflag:s23] =	ssyncset.done $0x0  }
0x2e: {  	[sflag:s23] =	ssyncadd.s32 $0xFFFFC000  }
0x2f: {  	[spmem:s12] =	stream.linear.scatter [tilespmem:s22], [sflag:$0x5], $0x4000, $0x38;
	[tilespmem:$0x1BBC0] =	vst v63  }
0x30: {  	_ =	swait.ge [sflag:s23], $0x4000  }
0x31: {  	[sflag:s23] =	ssyncset.done $0x0  }
0x32: {  	[sflag:s23] =	ssyncadd.s32 $0xFFFFC000  }
0x33: {  	[spmem:s13] =	stream.linear.scatter [tilespmem:s22], [sflag:$0x5], $0x4000, $0x38;
	[tilespmem:$0x1BBC0] =	vst v63  }
0x34: {  	_ =	swait.ge [sflag:s23], $0x4000  }
0x35: {  	[sflag:s23] =	ssyncset.done $0x0  }
0x36: {  	[sflag:s23] =	ssyncadd.s32 $0xFFFFC000  }
0x37: {  	[spmem:s14] =	stream.linear.scatter [tilespmem:s22], [sflag:$0x5], $0x4000, $0x38;
	[tilespmem:$0x1BBC0] =	vst v63  }
0x38: {  	_ =	swait.ge [sflag:s23], $0x4000  }
0x39: {  	[sflag:s23] =	ssyncset.done $0x0  }
0x3a: {  	s1 =	simm.s32 @p0 $0x300;
	[sflag:s23] =	ssyncadd.s32 $0xFFFFC000  }
0x3b: {  	[spmem:s15] =	stream.linear.scatter @p0 [tilespmem:s1], [sflag:$0x5], $0x4000, $0x38;
	[tilespmem:$0x1BBC0] =	vst v63  }
0x3c: {  	s1 =	simm.s32 @p0 $0x5  }
0x3d: {  	_ =	swait.ge @p0 [sflag:s1], $0x4000  }
0x3e: {  	[sflag:s1] =	ssyncset.done @p0 $0x0  }
0x3f: {  	[sflag:s1] =	ssyncadd.s32 @p0 $0xFFFFC000;
	s1 =	simm.s32 @!p1 $0x300  }
0x40: {  	[spmem:s5] =	stream.linear.scatter @!p1 [tilespmem:s1], [sflag:$0x4], $0xC00, $0x38;
	[tilespmem:$0x1BBC0] =	vst v63  }
0x41: {  	s29 =	simm.s32 $0x0;
	s1 =	simm.s32 @!p1 $0x4  }
0x42: {  	s7 =	simm.s32 $0x100;
	s16 =	simm.s32 $0x80;
	_ =	swait.ge @!p1 [sflag:s1], $0xC00  }
0x43: {  	s30 =	simm.s32 $0x1;
	p2 =	sle.u32 s6, $0x0;
	[sflag:s1] =	ssyncset.done @!p1 $0x0  }
0x44: {  	s31 =	simm.s32 $0x2;
	p3 =	sle.u32 @!p2 s6, $0x1;
	[sflag:s1] =	ssyncadd.s32 @!p1 $0xFFFFF400  }
0x45: {  	p5 =	por @!p2 $0x1, $0x1;
	s21 =	smul.u32 $0xAB, s29;
	[bflag:$0x0] =	sbarrier.arrive $0xFFFF  }
0x46: {  	p4 =	por p3, p2;
	p3 =	sle.u32 @!p2 s6, $0x2;
	s9 =	rddreg [dreg:$0x4]  }
0x47: {  	[tilespmem:s29], [sflag:$0x4] =	stream.linear.gather [hbm4b:s9+s29], $0x100, $0x38;
	[tilespmem:$0x1BBC0] =	vst v63  }
0x48: {  	p5 =	por p5, p2;
	s8 =	sadd.s32 $0xAB, s21;
	_ =	swait.ge [sflag:s24], $0x100  }
0x49: {  	s26 =	sxor.u32 @!p4 $0xFFFFFFFF, s29;
	s8 =	sshrl.u32 s8, $0x9;
	[sflag:s24] =	ssyncset.done $0x0  }
0x4a: {  	s8 =	sand.u32 $0x7F, s8;
	s10 =	rddreg [dreg:$0x5];
	[sflag:s24] =	ssyncadd.s32 $0xFFFFFF00  }
0x4b: {  	[tilespmem:s7], [sflag:$0x2] =	stream.linear.gather [hbm4b:s10+s29], $0x100, $0x38;
	[tilespmem:$0x1BBC0] =	vst v63  }
0x4c: {  	s25 =	simm.s32 @!p4 $0x2;
	s26 =	sand.u32 @!p4 $0x10000, s26;
	s8 =	smul.u32 $0x3, s8  }
0x4d: {  	[tilespmem:s22], [sflag:$0x1] =	stream.indirect.gather [hbm4b:s2+s16], $0x80, s29, s16, $0xb8;
	[tilespmem:$0x1BBC0] =	vst v63  }
0x4e: {  	s26 =	sshrl.u32 @!p4 s26, $0x2;
	s8 =	ssub.s32 $0x1, s8;
	_ =	swait.ge @!p4 [sflag:s25], $0x100  }
0x4f: {  	s8 =	sand.u32 $0xFF, s8;
	s1 =	simm.s32 @!p2 $0x1;
	[sflag:s25] =	ssyncset.done @!p4 $0x0  }
0x50: {  	s9 =	sshrl.u32 s21, $0x9;
	s21 =	sadd.s32 $0x156, s21;
	[sflag:s25] =	ssyncadd.s32 @!p4 $0xFFFFFF00  }
0x51: {  	s9 =	sand.u32 $0x7F, s9;
	s17 =	sshrl.u32 s21, $0x9;
	_ =	swait.ge @!p2 [sflag:s1], $0x4000  }
0x52: {  	s21 =	sor.u32 @!p4 $0x300, s26;
	s9 =	smul.u32 $0x3, s9;
	[sflag:s1] =	ssyncset.done @!p2 $0x0  }
0x53: {  	s7 =	sand.u32 @!p2 $0x10000, s29;
	[sflag:s1] =	ssyncadd.s32 @!p2 $0xFFFFC000;
	s1 =	simm.s32 @!p5 $0x3  }
0x54: {  	s9 =	ssub.s32 $0x0, s9;
	s7 =	sshrl.u32 @!p2 s7, $0x2;
	_ =	swait.ge @!p5 [sflag:s1], $0x4000  }
0x55: {  	s9 =	sand.u32 $0xFF, s9;
	s25 =	simm.s32 @!p4 $0x80;
	[sflag:s1] =	ssyncset.done @!p5 $0x0  }
0x56: {  	[sflag:s1] =	ssyncadd.s32 @!p5 $0xFFFFC000;
	s1 =	sshll.u32 @!p4 s8, $0x8;
	s8 =	sand.u32 $0x7F, s17  }
0x57: {  	[tilespmem:s21], [sflag:$0x1] =	stream.indirect.gather @!p4 [hbm4b:s2+s25], $0x80, s1, s25, $0xb8;
	[tilespmem:$0x1BBC0] =	vst v63  }
0x58: {  	s26 =	sor.u32 @!p2 $0x300, s7;
	s1 =	sshll.u32 @!p2 s9, $0x8;
	s7 =	smul.u32 $0x3, s8  }
0x59: {  	s25 =	sadd.s32 $0x20, s0;
	s21 =	smov.u32 s0;
	s1 =	sor.u32 @!p2 $0x80, s1  }
.LBB2_4:
0x5a: {  	s7 =	ssub.s32 s31, s7  }
0x5b: {  	s29 =	sadd.s32 $0x10000, s29;
	s8 =	smov.u32 s30;
	s30 =	sadd.s32 $0x1, s30  }
0x5c: {  	s9 =	simm.s32 @!p2 $0x80;
	p3 =	por p3, p2;
	s7 =	sand.u32 $0xFF, s7  }
0x5d: {  	p4 =	sne.s32 s30, $0x67;
	s31 =	simm.s32 @!p3 $0x0;
	s7 =	sshll.u32 @!p3 s7, $0x8  }
0x5e: {  	[spmem:s3] =	stream.indirect.scatter.add.f32 @!p2 [tilespmem:s26], [sflag:$0x3], $0x80, s1, s9, $0xb8;
	[tilespmem:$0x1BBC0] =	vst v63  }
0x5f: {  	p2 =	sge.u32 s8, s6  }
0x60: {  	[tilespmem:s7], [sflag:$0x2] =	stream.linear.gather @!p3 [hbm4b:s21+s31], $0x100, $0x38;
	[tilespmem:$0x1BBC0] =	vst v63  }
0x61: {  	s9 =	smul.u32 $0xAB, s8;
	s31 =	sadd.s32 $0x2, s8;
	s21 =	smov.u32 s25  }
0x62: {  	s1 =	simm.s32 @!p2 $0x1;
	p6 =	seq.s32 @!p2 s8, $0x0;
	p3 =	sge.u32 @!p2 s30, s6  }
0x63: {  	s7 =	sand.u32 @!p2 $0x10000, s29;
	p5 =	por p3, p2;
	p3 =	sge.u32 @!p2 s31, s6  }
0x64: {  	s16 =	sadd.s32 $0xAB, s9;
	s26 =	simm.s32 @!p5 $0x2;
	s10 =	sxor.u32 @!p5 $0xFFFFFFFF, s29  }
0x65: {  	s7 =	sshrl.u32 @!p2 s7, $0x2;
	s10 =	sand.u32 @!p5 $0x10000, s10;
	_ =	swait.ge @!p5 [sflag:s26], $0x100  }
0x66: {  	s17 =	sshrl.u32 s9, $0x9;
	s10 =	sshrl.u32 @!p5 s10, $0x2;
	[sflag:s26] =	ssyncset.done @!p5 $0x0  }
0x67: {  	s16 =	sshrl.u32 s16, $0x9;
	s17 =	sand.u32 $0x7F, s17;
	[sflag:s26] =	ssyncadd.s32 @!p5 $0xFFFFFF00  }
0x68: {  	s16 =	sand.u32 $0x7F, s16;
	s17 =	smul.u32 $0x3, s17;
	_ =	swait.ge @!p2 [sflag:s1], $0x4000  }
0x69: {  	p6 =	por p6, p2;
	s16 =	smul.u32 $0x3, s16;
	[sflag:s1] =	ssyncset.done @!p2 $0x0  }
0x6a: {  	s9 =	sadd.s32 $0x156, s9;
	[sflag:s1] =	ssyncadd.s32 @!p2 $0xFFFFC000;
	s1 =	simm.s32 @!p6 $0x3  }
0x6b: {  	s8 =	ssub.s32 s8, s17;
	s16 =	ssub.s32 s30, s16;
	_ =	swait.ge @!p6 [sflag:s1], $0x4000  }
0x6c: {  	s8 =	sand.u32 $0xFF, s8;
	s16 =	sand.u32 $0xFF, s16;
	[sflag:s1] =	ssyncset.done @!p6 $0x0  }
.Ltmp1:
0x6d: {  	s16 =	sshll.u32 @!p5 s16, $0x8;
	[sflag:s1] =	ssyncadd.s32 @!p6 $0xFFFFC000;
	(pc) =	sbr.rel @p4 .LBB2_4-.Ltmp1, $4  }
0x6e: {  	s8 =	sshll.u32 @!p2 s8, $0x8;
	s1 =	sshrl.u32 s9, $0x9;
	s9 =	sor.u32 @!p5 $0x300, s10  }
0x6f: {  	s26 =	sor.u32 @!p2 $0x300, s7;
	s10 =	sand.u32 $0x7F, s1;
	s1 =	sor.u32 @!p2 $0x80, s8  }
0x70: {  	s25 =	sadd.s32 $0x20, s25;
	s8 =	simm.s32 @!p5 $0x80;
	s7 =	smul.u32 $0x3, s10  }
0x71: {  	[tilespmem:s9], [sflag:$0x1] =	stream.indirect.gather @!p5 [hbm4b:s2+s8], $0x80, s16, s8, $0xb8;
	[tilespmem:$0x1BBC0] =	vst v63  }
0x72: {  	s7 =	ssub.s32 s31, s7  }
0x73: {  	s8 =	simm.s32 @!p2 $0x80;
	p3 =	por p3, p2;
	s7 =	sand.u32 $0xFF, s7  }
0x74: {  	[spmem:s3] =	stream.indirect.scatter.add.f32 @!p2 [tilespmem:s26], [sflag:$0x3], $0x80, s1, s8, $0xb8;
	[tilespmem:$0x1BBC0] =	vst v63  }
0x75: {  	s1 =	sshll.u32 @!p3 s7, $0x8;
	s7 =	simm.s32 @!p3 $0x0  }
0x76: {  	[tilespmem:s1], [sflag:$0x2] =	stream.linear.gather @!p3 [hbm4b:s21+s7], $0x100, $0x38;
	[tilespmem:$0x1BBC0] =	vst v63  }
0x77: {  	_ =	swait.ge [sflag:s28], $0x4000  }
0x78: {  	[sflag:s28] =	ssyncset.done $0x0  }
0x79: {  	s9 =	stileid.u32;
	[sflag:s28] =	ssyncadd.s32 $0xFFFFC000  }
0x7a: {  	s16 =	sshll.u32 s9, $0x6;
	[bflag:$0x0] =	sbarrier.arrive $0xFFFF  }
0x7b: {  	s17 =	sshrl.u32 s11, $0x3;
	s1 =	sor.u32 $0x1C05, s16;
	s21 =	rddreg [dreg:$0x8]  }
0x7c: {  	[hbm:s21], [sflag:s1] =	dma.local [spmem:s17], $0x800  }
0x7d: {  	_ =	swait.ge [sflag:s23], $0x800  }
0x7e: {  	[sflag:s23] =	ssyncset.done $0x0  }
0x7f: {  	s25 =	sshrl.u32 s12, $0x3;
	s26 =	rddreg [dreg:$0x9];
	[sflag:s23] =	ssyncadd.s32 $0xFFFFF800  }
0x80: {  	[hbm:s26], [sflag:s1] =	dma.local [spmem:s25], $0x800  }
0x81: {  	_ =	swait.ge [sflag:s23], $0x800  }
0x82: {  	[sflag:s23] =	ssyncset.done $0x0  }
0x83: {  	s29 =	sshrl.u32 s13, $0x3;
	[sflag:s23] =	ssyncadd.s32 $0xFFFFF800  }
0x84: {  	[hbm:s18], [sflag:s1] =	dma.local [spmem:s29], $0x800  }
0x85: {  	_ =	swait.ge [sflag:s23], $0x800  }
0x86: {  	[sflag:s23] =	ssyncset.done $0x0  }
0x87: {  	s30 =	sshrl.u32 s14, $0x3;
	[sflag:s23] =	ssyncadd.s32 $0xFFFFF800  }
0x88: {  	[hbm:s19], [sflag:s1] =	dma.local [spmem:s30], $0x800  }
0x89: {  	_ =	swait.ge [sflag:s23], $0x800  }
0x8a: {  	[sflag:s23] =	ssyncset.done $0x0  }
0x8b: {  	s7 =	sshrl.u32 @p0 s15, $0x3;
	[sflag:s23] =	ssyncadd.s32 $0xFFFFF800  }
0x8c: {  	[hbm:s20], [sflag:s1] =	dma.local @p0 [spmem:s7], $0x800  }
0x8d: {  	s1 =	simm.s32 @p0 $0x5  }
0x8e: {  	_ =	swait.ge @p0 [sflag:s1], $0x800  }
0x8f: {  	s7 =	sshll.u32 @!p1 s9, $0x6;
	[sflag:s1] =	ssyncset.done @p0 $0x0;
	s9 =	rddreg [dreg:$0x6]  }
0x90: {  	[sflag:s1] =	ssyncadd.s32 @p0 $0xFFFFF800;
	s1 =	sor.u32 @!p1 $0x1C04, s7;
	s7 =	sshrl.u32 @!p1 s5, $0x3  }
0x91: {  	[hbm:s9], [sflag:s1] =	dma.local @!p1 [spmem:s7], $0x100  }
0x92: {  	s1 =	simm.s32 @!p1 $0x4  }
0x93: {  	_ =	swait.ge @!p1 [sflag:s1], $0x100  }
0x94: {  	s4 =	sadd.s32 $0x1, s4;
	s31 =	rddreg [dreg:$0x7]  }
0x95: {  	p2 =	sne.s32 s4, s31  }
.Ltmp2:
0x96: {  	_ = 	snop;
	(pc) =	sbr.rel @p2 .LBB2_1-.Ltmp2, $3  }
0x97: {  	_ =	sdelay $0x1  }
0x98: {  	[sflag:s1] =	ssyncset.done @!p1 $0x0  }
0x99: {  	s8 =	stileid.u32;
	[sflag:s1] =	ssyncadd.s32 @!p1 $0xFFFFFF00  }
0x9a: {  	_ =	sfence.sel $0x180000  }
0x9b: {  	[bflag:$0x0] =	sbarrier.arrive $0xFFFF  }
0x9c: {  	_ =	strace $0x9000004A  }
0x9d: {  	[bflag:$0x2] =	sbarrier.arrive $0xFFFF  }
0x9e: {  	p0 =	sne.s32 s8, $0x0;
	s0 =	rddreg [dreg:$0x3]  }
0x9f: {  	s0 =	sadd.s32 @!p0 $0x100000, s0  }
0xa0: {  	[sflag:s0] =	ssyncadd.tile.s32 @!p0 $0x1;
	_ =	shalt  }
.Lfunc_end2:
_tile_overlayer_lowered:
.L_overlay_start_2:
0xa1: {  	(tag) =	ssettag $0x2  }
0xa2: {  	s0 =	rddreg [dreg:$0x0];
	s2 =	stileid.u32  }
0xa3: {  	s1 =	rddreg [dreg:$0x1];
	p0 =	sne.s32 s2, $0x0  }
0xa4: {  	s3 =	rddreg [dreg:$0x2];
	[bflag:$0x3] =	sbarrier.arrive $0xFFFF;
	s2 =	simm.s32 @!p0 $0x1C04  }
0xa5: {  	[timem:s3], [sflag:s2] =	dma.local @!p0 [hbm:s0], s1  }
0xa6: {  	s0 =	simm.s32 @!p0 $0x4  }
0xa7: {  	_ =	swait.ge @!p0 [sflag:s0], s1  }
0xa8: {  	s1 =	ssub.s32 @!p0 $0x0, s1;
	[sflag:s0] =	ssyncset.done @!p0 $0x0  }
0xa9: {  	[sflag:s0] =	ssyncadd.s32 @!p0 s1  }
0xaa: {  	[bflag:$0x3] =	sbarrier.arrive $0xFFFF  }
0xab: {  	_ =	shalt  }

</sc_bundles>
